<compile_context>
chip_gen: v7x
topology: tpu7x:2x2x1
jax: 0.10.2.dev20260603
libtpu: 0.0.44.dev20260713+nightly
codegen_flags: <defaults>
</compile_context>

<pallas_src>
import functools

import jax
import jax.numpy as jnp
from jax import lax
from jax.experimental import pallas as pl
from jax.experimental.pallas import tpu as pltpu
from jax.experimental.pallas import tpu_sc as plsc

N_NODES = 10000
N_EDGES = 320000
D = 128

NC = 2
NS = 16
NW = NC * NS
CH = 128
NCHT = N_EDGES // CH
C0 = 78
C1A = 78
C1B = 80
SCR = max(C0, C1B)
N_PAD = 10240
ROWS_PER_TILE = N_PAD // NS
ZB = 64


def _h_body(x_ref, w_ref, b_ref, h_ref):
    acc = lax.dot_general(
        x_ref[...], w_ref[...], (((1,), (1,)), ((), ())),
        preferred_element_type=jnp.float32,
    ) + b_ref[...]
    nrm = jnp.sqrt(jnp.sum(acc * acc, axis=-1, keepdims=True))
    h_ref[...] = (acc / nrm).astype(jnp.bfloat16)


def _compute_h(x, W, b2):
    blk = 2000
    return pl.pallas_call(
        _h_body,
        grid=(N_NODES // blk,),
        in_specs=[
            pl.BlockSpec((blk, D), lambda i: (i, 0)),
            pl.BlockSpec((D, D), lambda i: (0, 0)),
            pl.BlockSpec((1, D), lambda i: (0, 0)),
        ],
        out_specs=pl.BlockSpec((blk, D), lambda i: (i, 0)),
        out_shape=jax.ShapeDtypeStruct((N_NODES, D), jnp.bfloat16),
    )(x, W, b2)


def _sc_body(edges_hbm, h_hbm, s_out, cnt_out,
             src_v, dst_v, rows_v, ones_v, zcnt_v, gsem, ssem, csem, s_sh, cnt_sh):
    cid = lax.axis_index("c")
    sid = lax.axis_index("s")
    nch = jnp.where(cid == 0, C0, jnp.where(sid >= 14, C1B, C1A))
    base = jnp.where(cid == 0, sid * C0,
                     16 * C0 + sid * C1A + 2 * jnp.maximum(sid - 14, 0))

    zeros16 = jnp.zeros((16,), jnp.float32)
    zeros32b = jnp.zeros((32,), jnp.bfloat16)
    ones16 = jnp.ones((16,), jnp.float32)

    def fill_rows(i, _):
        for k in range(D // 32):
            rows_v[0, i, pl.ds(k * 32, 32)] = zeros32b
        return 0

    lax.fori_loop(0, CH, fill_rows, 0)
    for k in range(CH // 16):
        ones_v[pl.ds(k * 16, 16)] = ones16
    for k in range(ZB // 16):
        zcnt_v[pl.ds(k * 16, 16)] = zeros16

    for t in range(ROWS_PER_TILE // ZB):
        zb = sid * ROWS_PER_TILE + t * ZB
        pltpu.sync_copy(rows_v.at[0, pl.ds(0, ZB)], s_sh.at[pl.ds(zb, ZB)])
        pltpu.sync_copy(zcnt_v, cnt_sh.at[pl.ds(zb, ZB)])

    @pl.when(cid == 0)
    def _():
        pltpu.sync_copy(edges_hbm.at[0, pl.ds(base, C0)], src_v.at[pl.ds(0, C0)])
        pltpu.sync_copy(edges_hbm.at[1, pl.ds(base, C0)], dst_v.at[pl.ds(0, C0)])

    @pl.when(cid == 1)
    def _():
        pltpu.sync_copy(edges_hbm.at[0, pl.ds(base, C1B)], src_v.at[pl.ds(0, C1B)])
        pltpu.sync_copy(edges_hbm.at[1, pl.ds(base, C1B)], dst_v.at[pl.ds(0, C1B)])

    plsc.subcore_barrier()

    def gather(j, buf):
        return pltpu.async_copy(h_hbm.at[src_v.at[j, 0]], rows_v.at[buf], gsem)

    def scat(j, buf):
        return pltpu.async_copy(rows_v.at[buf], s_sh.at[dst_v.at[j, 0]], ssem,
                                add=True)

    gather(0, 0)
    gather(1, 1)

    def pair(p, _):
        j0 = 2 * p
        j1 = j0 + 1
        pltpu.make_async_copy(h_hbm.at[src_v.at[j0, 0]], rows_v.at[0], gsem).wait()
        scat(j0, 0)
        pltpu.async_copy(ones_v, cnt_sh.at[dst_v.at[j0, 0]], csem, add=True)
        pltpu.make_async_copy(h_hbm.at[src_v.at[j1, 0]], rows_v.at[1], gsem).wait()
        scat(j1, 1)
        pltpu.async_copy(ones_v, cnt_sh.at[dst_v.at[j1, 0]], csem, add=True)
        pltpu.make_async_copy(rows_v.at[0], s_sh.at[dst_v.at[j0, 0]], ssem).wait()

        @pl.when(p < nch // 2 - 1)
        def _():
            gather(j0 + 2, 0)

        pltpu.make_async_copy(rows_v.at[1], s_sh.at[dst_v.at[j1, 0]], ssem).wait()

        @pl.when(p < nch // 2 - 1)
        def _():
            gather(j1 + 2, 1)

        return 0

    lax.fori_loop(0, nch // 2, pair, 0)

    def drain(j, _):
        pltpu.make_async_copy(ones_v, cnt_sh.at[dst_v.at[0, 0]], csem).wait()
        return 0

    lax.fori_loop(0, nch, drain, 0)

    plsc.subcore_barrier()

    base = sid * ROWS_PER_TILE
    pltpu.sync_copy(s_sh.at[pl.ds(base, ROWS_PER_TILE)],
                    s_out.at[cid, pl.ds(base, ROWS_PER_TILE)])
    pltpu.sync_copy(cnt_sh.at[pl.ds(base, ROWS_PER_TILE)],
                    cnt_out.at[cid, pl.ds(base, ROWS_PER_TILE)])


def _segment_sums(edges, h):
    mesh = plsc.VectorSubcoreMesh(
        core_axis_name="c", subcore_axis_name="s",
        num_cores=NC, num_subcores=NS,
    )
    f = pl.kernel(
        _sc_body,
        compiler_params=pltpu.CompilerParams(use_tc_tiling_on_sc=False),
        out_type=(
            jax.ShapeDtypeStruct((NC, N_PAD, D), jnp.bfloat16),
            jax.ShapeDtypeStruct((NC, N_PAD), jnp.float32),
        ),
        mesh=mesh,
        scratch_types=[
            pltpu.VMEM((SCR, 1, CH), jnp.int32),
            pltpu.VMEM((SCR, 1, CH), jnp.int32),
            pltpu.VMEM((2, CH, D), jnp.bfloat16),
            pltpu.VMEM((CH,), jnp.float32),
            pltpu.VMEM((ZB,), jnp.float32),
            pltpu.SemaphoreType.DMA,
            pltpu.SemaphoreType.DMA,
            pltpu.SemaphoreType.DMA,
            pltpu.VMEM_SHARED((N_PAD, D), jnp.bfloat16),
            pltpu.VMEM_SHARED((N_PAD,), jnp.float32),
        ],
    )
    return f(edges, h)


def _var_body(s_ref, c_ref, v_ref):
    s = s_ref[0].astype(jnp.float32) + s_ref[1].astype(jnp.float32)
    cnt = c_ref[0] + c_ref[1]
    ss = jnp.sum(s * s, axis=-1)
    c = jnp.maximum(cnt, 1.0)
    v = jnp.where(cnt > 0.0, 1.0 - ss / (c * c), 0.0)
    v_ref[...] = v.reshape(v_ref.shape)


def _finalize(s_part, cnt_part):
    blk = 1024
    g = N_PAD // blk
    out = pl.pallas_call(
        _var_body,
        grid=(g,),
        in_specs=[
            pl.BlockSpec((NC, blk, D), lambda i: (0, i, 0)),
            pl.BlockSpec((NC, blk), lambda i: (0, i)),
        ],
        out_specs=pl.BlockSpec((blk // 128, 128), lambda i: (i, 0)),
        out_shape=jax.ShapeDtypeStruct((N_PAD // 128, 128), jnp.float32),
    )(s_part, cnt_part)
    return out.reshape(-1)[:N_NODES]


@jax.jit
def kernel(x, edge_index, W, b):
    edges = edge_index.astype(jnp.int32).reshape(2, NCHT, 1, CH)
    h = _compute_h(x, W, b.reshape(1, D))
    s_part, cnt_part = _segment_sums(edges, h)
    return _finalize(s_part, cnt_part)

# --- scband reference (transcript-rebuilt; emitter-appended) ---
"""Pipeline reference for scband-nei-var-5643587027585 (READ-ONLY COPY).

The authoritative reference and input builder live on the scoring server;
editing this copy changes nothing except your own understanding.
"""

import jax, jax.numpy as jnp
import numpy as np

N_NODES = 10000
N_EDGES = 320000
D_IN = 128
D_EMB = 128


def setup_inputs(seed: int = 0) -> dict:
    key = jax.random.key(seed)
    k1, k2, k3, k4 = jax.random.split(key, 4)
    x = jax.random.normal(k1, (N_NODES, D_IN), dtype=jnp.float32)
    edge_index = jax.random.randint(k2, (2, N_EDGES), 0, N_NODES, dtype=jnp.int64)
    # nn.Linear(input_dim, emb_dim): weight [emb_dim, input_dim], bias [emb_dim]
    bound = 1.0 / np.sqrt(D_IN)
    W = jax.random.uniform(k3, (D_EMB, D_IN), dtype=jnp.float32, minval=-bound, maxval=bound)
    b = jax.random.uniform(k4, (D_EMB,), dtype=jnp.float32, minval=-bound, maxval=bound)
    return {"x": x, "edge_index": edge_index, "W": W, "b": b}


def reference(x, edge_index, W, b):
    N = x.shape[0]
    src = edge_index[0]
    dst = edge_index[1]
    # h = self.lin(x)
    h = x @ W.T + b
    # h = h / norm(h, dim=-1).reshape(-1, 1)
    h = h / jnp.linalg.norm(h, axis=-1, keepdims=True)
    # MeanConv: mean aggregation of x_j (source features) at dst
    msg = jnp.take(h, src, axis=0)
    sum_msg = jax.ops.segment_sum(msg, dst, num_segments=N)
    cnt = jax.ops.segment_sum(jnp.ones((src.shape[0],), dtype=h.dtype), dst, num_segments=N)
    cnt = jnp.clip(cnt, 1.0, None)
    mean = sum_msg / cnt[:, None]
    # CovConv: message (x_j - ner_mean)^2 with ner_mean = mean[dst] per edge, mean-aggregated at dst
    ner_mean = jnp.take(mean, dst, axis=0)
    msg2 = (msg - ner_mean) ** 2
    var_agg = jax.ops.segment_sum(msg2, dst, num_segments=N) / cnt[:, None]
    # out = sum over last dim
    var = jnp.sum(var_agg, axis=-1)
    return var

if __name__ == "__main__":
    import jax
    _d = setup_inputs()
    print(jax.jit(kernel)(*tuple(_d.values())))

</pallas_src>

<mosaic_0001>
#map = affine_map<(d0, d1) -> (0, 0, 0, 0)>
#map1 = affine_map<(d0, d1) -> (0, 0)>
#map2 = affine_map<(d0, d1) -> (0, 0, 0)>
module attributes {stable_mosaic.version = 14 : i64} {
  func.func @_sc_body(%arg0: i32, %arg1: i32, %arg2: memref<2x2500x1x128xi32, #tpu.memory_space<hbm>>, %arg3: memref<10000x128xbf16, #tpu.memory_space<hbm>>, %arg4: memref<2x10240x128xbf16, #tpu.memory_space<hbm>>, %arg5: memref<2x10240xf32, #tpu.memory_space<hbm>>, %arg6: memref<80x1x128xi32, #tpu.memory_space<vmem>>, %arg7: memref<80x1x128xi32, #tpu.memory_space<vmem>>, %arg8: memref<2x128x128xbf16, #tpu.memory_space<vmem>>, %arg9: memref<128xf32, #tpu.memory_space<vmem>>, %arg10: memref<64xf32, #tpu.memory_space<vmem>>, %arg11: memref<!tpu.dma_semaphore, #tpu.memory_space<semaphore_mem>>, %arg12: memref<!tpu.dma_semaphore, #tpu.memory_space<semaphore_mem>>, %arg13: memref<!tpu.dma_semaphore, #tpu.memory_space<semaphore_mem>>, %arg14: memref<10240x128xbf16, #tpu.memory_space<vmem_shared>>, %arg15: memref<10240xf32, #tpu.memory_space<vmem_shared>>) attributes {dimension_semantics = [#tpu.dimension_semantics<core_parallel>, #tpu.dimension_semantics<subcore_parallel>], iteration_bounds = array<i64: 2, 16>, scalar_prefetch = 0 : i64, scratch_operands = 10 : i64, tpu.core_type = #tpu.core_type<sc_vector_subcore>, window_params = [{transform_indices = #map}, {transform_indices = #map1}, {transform_indices = #map2}, {transform_indices = #map1}]} {
    %eq3A = arith.constant 0 : i32
    %eq3A_0 = arith.cmpi eq, %arg0, %eq3A : i32
    %ge3A = arith.constant 14 : i32
    %ge3A_1 = arith.cmpi sge, %arg1, %ge3A : i32
    %jit3A = arith.constant 80 : i32
    %jit3A_2 = arith.constant 78 : i32
    %select_n3A = arith.select %ge3A_1, %jit3A, %jit3A_2 : i32
    %jit3A_3 = arith.constant 78 : i32
    %select_n3A_4 = arith.select %eq3A_0, %jit3A_3, %select_n3A : i32
    %eq3A_5 = arith.constant 0 : i32
    %eq3A_6 = arith.cmpi eq, %arg0, %eq3A_5 : i32
    %mul3A = arith.constant 78 : i32
    %mul3A_7 = arith.muli %arg1, %mul3A : i32
    %mul3A_8 = arith.constant 78 : i32
    %mul3A_9 = arith.muli %arg1, %mul3A_8 : i32
    %add3A = arith.constant 1248 : i32
    %add3A_10 = arith.addi %add3A, %mul3A_9 : i32
    %sub3A = arith.constant 14 : i32
    %sub3A_11 = arith.subi %arg1, %sub3A : i32
    %max3A = arith.constant 0 : i32
    %max3A_12 = arith.maxsi %sub3A_11, %max3A : i32
    %mul3A_13 = arith.constant 2 : i32
    %mul3A_14 = arith.muli %mul3A_13, %max3A_12 : i32
    %add3A_15 = arith.addi %add3A_10, %mul3A_14 : i32
    %select_n3A_16 = arith.select %eq3A_6, %mul3A_7, %add3A_15 : i32
    %broadcast_in_dim3A = arith.constant 0.000000e+00 : f32
    %broadcast_in_dim3A_17 = vector.broadcast %broadcast_in_dim3A : f32 to vector<16xf32>
    %broadcast_in_dim3A_18 = arith.constant 0.000000e+00 : bf16
    %broadcast_in_dim3A_19 = vector.broadcast %broadcast_in_dim3A_18 : bf16 to vector<32xbf16>
    %broadcast_in_dim3A_20 = arith.constant 1.000000e+00 : f32
    %broadcast_in_dim3A_21 = vector.broadcast %broadcast_in_dim3A_20 : f32 to vector<16xf32>
    %scan3A = arith.constant 0 : i32
    %scan3A_22 = arith.constant 0 : i32
    %scan3A_23 = arith.constant 128 : i32
    %scan3A_24 = arith.addi %scan3A_22, %scan3A_23 : i32
    %scan3A_25 = arith.constant 1 : i32
    %scan3A_26 = scf.for %scan3A_202 = %scan3A_22 to %scan3A_24 step %scan3A_25 iter_args(%scan3A_203 = %scan3A) -> (i32)  : i32 {
      %swap3A_204 = arith.constant 0 : i32
      %swap3A_205 = arith.index_cast %swap3A_204 : i32 to index
      %swap3A_206 = arith.index_cast %scan3A_202 : i32 to index
      %swap3A_207 = arith.constant 0 : index
      %swap3A_208 = tpu.vector_load %arg8[%swap3A_205, %swap3A_206, %swap3A_207] {strides = array<i32>} : memref<2x128x128xbf16, #tpu.memory_space<vmem>>, vector<1x1x32xbf16>,
      %swap3A_209 = vector.shape_cast %swap3A_208 : vector<1x1x32xbf16> to vector<32xbf16>
      %swap3A_210 = vector.shape_cast %broadcast_in_dim3A_19 : vector<32xbf16> to vector<1x1x32xbf16>
      tpu.vector_store %arg8[%swap3A_205, %swap3A_206, %swap3A_207], %swap3A_210 {strides = array<i32>} : memref<2x128x128xbf16, #tpu.memory_space<vmem>>, vector<1x1x32xbf16>,
      %swap3A_211 = arith.constant 0 : i32
      %swap3A_212 = arith.index_cast %swap3A_211 : i32 to index
      %swap3A_213 = arith.index_cast %scan3A_202 : i32 to index
      %swap3A_214 = arith.constant 32 : index
      %swap3A_215 = tpu.vector_load %arg8[%swap3A_212, %swap3A_213, %swap3A_214] {strides = array<i32>} : memref<2x128x128xbf16, #tpu.memory_space<vmem>>, vector<1x1x32xbf16>,
      %swap3A_216 = vector.shape_cast %swap3A_215 : vector<1x1x32xbf16> to vector<32xbf16>
      %swap3A_217 = vector.shape_cast %broadcast_in_dim3A_19 : vector<32xbf16> to vector<1x1x32xbf16>
      tpu.vector_store %arg8[%swap3A_212, %swap3A_213, %swap3A_214], %swap3A_217 {strides = array<i32>} : memref<2x128x128xbf16, #tpu.memory_space<vmem>>, vector<1x1x32xbf16>,
      %swap3A_218 = arith.constant 0 : i32
      %swap3A_219 = arith.index_cast %swap3A_218 : i32 to index
      %swap3A_220 = arith.index_cast %scan3A_202 : i32 to index
      %swap3A_221 = arith.constant 64 : index
      %swap3A_222 = tpu.vector_load %arg8[%swap3A_219, %swap3A_220, %swap3A_221] {strides = array<i32>} : memref<2x128x128xbf16, #tpu.memory_space<vmem>>, vector<1x1x32xbf16>,
      %swap3A_223 = vector.shape_cast %swap3A_222 : vector<1x1x32xbf16> to vector<32xbf16>
      %swap3A_224 = vector.shape_cast %broadcast_in_dim3A_19 : vector<32xbf16> to vector<1x1x32xbf16>
      tpu.vector_store %arg8[%swap3A_219, %swap3A_220, %swap3A_221], %swap3A_224 {strides = array<i32>} : memref<2x128x128xbf16, #tpu.memory_space<vmem>>, vector<1x1x32xbf16>,
      %swap3A_225 = arith.constant 0 : i32
      %swap3A_226 = arith.index_cast %swap3A_225 : i32 to index
      %swap3A_227 = arith.index_cast %scan3A_202 : i32 to index
      %swap3A_228 = arith.constant 96 : index
      %swap3A_229 = tpu.vector_load %arg8[%swap3A_226, %swap3A_227, %swap3A_228] {strides = array<i32>} : memref<2x128x128xbf16, #tpu.memory_space<vmem>>, vector<1x1x32xbf16>,
      %swap3A_230 = vector.shape_cast %swap3A_229 : vector<1x1x32xbf16> to vector<32xbf16>
      %swap3A_231 = vector.shape_cast %broadcast_in_dim3A_19 : vector<32xbf16> to vector<1x1x32xbf16>
      tpu.vector_store %arg8[%swap3A_226, %swap3A_227, %swap3A_228], %swap3A_231 {strides = array<i32>} : memref<2x128x128xbf16, #tpu.memory_space<vmem>>, vector<1x1x32xbf16>,
      %scan3A_232 = arith.constant 0 : i32
      scf.yield %scan3A_232 : i32
    }
    %scan3A_27 = arith.constant 128 : i32
    %swap3A = arith.constant 0 : index
    %swap3A_28 = tpu.vector_load %arg9[%swap3A] {strides = array<i32>} : memref<128xf32, #tpu.memory_space<vmem>>, vector<16xf32>,
    %swap3A_29 = vector.shape_cast %swap3A_28 : vector<16xf32> to vector<16xf32>
    %swap3A_30 = vector.shape_cast %broadcast_in_dim3A_21 : vector<16xf32> to vector<16xf32>
    tpu.vector_store %arg9[%swap3A], %swap3A_30 {strides = array<i32>} : memref<128xf32, #tpu.memory_space<vmem>>, vector<16xf32>,
    %swap3A_31 = arith.constant 16 : index
    %swap3A_32 = tpu.vector_load %arg9[%swap3A_31] {strides = array<i32>} : memref<128xf32, #tpu.memory_space<vmem>>, vector<16xf32>,
    %swap3A_33 = vector.shape_cast %swap3A_32 : vector<16xf32> to vector<16xf32>
    %swap3A_34 = vector.shape_cast %broadcast_in_dim3A_21 : vector<16xf32> to vector<16xf32>
    tpu.vector_store %arg9[%swap3A_31], %swap3A_34 {strides = array<i32>} : memref<128xf32, #tpu.memory_space<vmem>>, vector<16xf32>,
    %swap3A_35 = arith.constant 32 : index
    %swap3A_36 = tpu.vector_load %arg9[%swap3A_35] {strides = array<i32>} : memref<128xf32, #tpu.memory_space<vmem>>, vector<16xf32>,
    %swap3A_37 = vector.shape_cast %swap3A_36 : vector<16xf32> to vector<16xf32>
    %swap3A_38 = vector.shape_cast %broadcast_in_dim3A_21 : vector<16xf32> to vector<16xf32>
    tpu.vector_store %arg9[%swap3A_35], %swap3A_38 {strides = array<i32>} : memref<128xf32, #tpu.memory_space<vmem>>, vector<16xf32>,
    %swap3A_39 = arith.constant 48 : index
    %swap3A_40 = tpu.vector_load %arg9[%swap3A_39] {strides = array<i32>} : memref<128xf32, #tpu.memory_space<vmem>>, vector<16xf32>,
    %swap3A_41 = vector.shape_cast %swap3A_40 : vector<16xf32> to vector<16xf32>
    %swap3A_42 = vector.shape_cast %broadcast_in_dim3A_21 : vector<16xf32> to vector<16xf32>
    tpu.vector_store %arg9[%swap3A_39], %swap3A_42 {strides = array<i32>} : memref<128xf32, #tpu.memory_space<vmem>>, vector<16xf32>,
    %swap3A_43 = arith.constant 64 : index
    %swap3A_44 = tpu.vector_load %arg9[%swap3A_43] {strides = array<i32>} : memref<128xf32, #tpu.memory_space<vmem>>, vector<16xf32>,
    %swap3A_45 = vector.shape_cast %swap3A_44 : vector<16xf32> to vector<16xf32>
    %swap3A_46 = vector.shape_cast %broadcast_in_dim3A_21 : vector<16xf32> to vector<16xf32>
    tpu.vector_store %arg9[%swap3A_43], %swap3A_46 {strides = array<i32>} : memref<128xf32, #tpu.memory_space<vmem>>, vector<16xf32>,
    %swap3A_47 = arith.constant 80 : index
    %swap3A_48 = tpu.vector_load %arg9[%swap3A_47] {strides = array<i32>} : memref<128xf32, #tpu.memory_space<vmem>>, vector<16xf32>,
    %swap3A_49 = vector.shape_cast %swap3A_48 : vector<16xf32> to vector<16xf32>
    %swap3A_50 = vector.shape_cast %broadcast_in_dim3A_21 : vector<16xf32> to vector<16xf32>
    tpu.vector_store %arg9[%swap3A_47], %swap3A_50 {strides = array<i32>} : memref<128xf32, #tpu.memory_space<vmem>>, vector<16xf32>,
    %swap3A_51 = arith.constant 96 : index
    %swap3A_52 = tpu.vector_load %arg9[%swap3A_51] {strides = array<i32>} : memref<128xf32, #tpu.memory_space<vmem>>, vector<16xf32>,
    %swap3A_53 = vector.shape_cast %swap3A_52 : vector<16xf32> to vector<16xf32>
    %swap3A_54 = vector.shape_cast %broadcast_in_dim3A_21 : vector<16xf32> to vector<16xf32>
    tpu.vector_store %arg9[%swap3A_51], %swap3A_54 {strides = array<i32>} : memref<128xf32, #tpu.memory_space<vmem>>, vector<16xf32>,
    %swap3A_55 = arith.constant 112 : index
    %swap3A_56 = tpu.vector_load %arg9[%swap3A_55] {strides = array<i32>} : memref<128xf32, #tpu.memory_space<vmem>>, vector<16xf32>,
    %swap3A_57 = vector.shape_cast %swap3A_56 : vector<16xf32> to vector<16xf32>
    %swap3A_58 = vector.shape_cast %broadcast_in_dim3A_21 : vector<16xf32> to vector<16xf32>
    tpu.vector_store %arg9[%swap3A_55], %swap3A_58 {strides = array<i32>} : memref<128xf32, #tpu.memory_space<vmem>>, vector<16xf32>,
    %swap3A_59 = arith.constant 0 : index
    %swap3A_60 = tpu.vector_load %arg10[%swap3A_59] {strides = array<i32>} : memref<64xf32, #tpu.memory_space<vmem>>, vector<16xf32>,
    %swap3A_61 = vector.shape_cast %swap3A_60 : vector<16xf32> to vector<16xf32>
    %swap3A_62 = vector.shape_cast %broadcast_in_dim3A_17 : vector<16xf32> to vector<16xf32>
    tpu.vector_store %arg10[%swap3A_59], %swap3A_62 {strides = array<i32>} : memref<64xf32, #tpu.memory_space<vmem>>, vector<16xf32>,
    %swap3A_63 = arith.constant 16 : index
    %swap3A_64 = tpu.vector_load %arg10[%swap3A_63] {strides = array<i32>} : memref<64xf32, #tpu.memory_space<vmem>>, vector<16xf32>,
    %swap3A_65 = vector.shape_cast %swap3A_64 : vector<16xf32> to vector<16xf32>
    %swap3A_66 = vector.shape_cast %broadcast_in_dim3A_17 : vector<16xf32> to vector<16xf32>
    tpu.vector_store %arg10[%swap3A_63], %swap3A_66 {strides = array<i32>} : memref<64xf32, #tpu.memory_space<vmem>>, vector<16xf32>,
    %swap3A_67 = arith.constant 32 : index
    %swap3A_68 = tpu.vector_load %arg10[%swap3A_67] {strides = array<i32>} : memref<64xf32, #tpu.memory_space<vmem>>, vector<16xf32>,
    %swap3A_69 = vector.shape_cast %swap3A_68 : vector<16xf32> to vector<16xf32>
    %swap3A_70 = vector.shape_cast %broadcast_in_dim3A_17 : vector<16xf32> to vector<16xf32>
    tpu.vector_store %arg10[%swap3A_67], %swap3A_70 {strides = array<i32>} : memref<64xf32, #tpu.memory_space<vmem>>, vector<16xf32>,
    %swap3A_71 = arith.constant 48 : index
    %swap3A_72 = tpu.vector_load %arg10[%swap3A_71] {strides = array<i32>} : memref<64xf32, #tpu.memory_space<vmem>>, vector<16xf32>,
    %swap3A_73 = vector.shape_cast %swap3A_72 : vector<16xf32> to vector<16xf32>
    %swap3A_74 = vector.shape_cast %broadcast_in_dim3A_17 : vector<16xf32> to vector<16xf32>
    tpu.vector_store %arg10[%swap3A_71], %swap3A_74 {strides = array<i32>} : memref<64xf32, #tpu.memory_space<vmem>>, vector<16xf32>,
    %mul3A_75 = arith.constant 640 : i32
    %mul3A_76 = arith.muli %arg1, %mul3A_75 : i32
    %add3A_77 = arith.constant 0 : i32
    %add3A_78 = arith.addi %mul3A_76, %add3A_77 : i32
    %run_scoped3A = arith.constant 0 : i32
    "tpu.region"() ({
      %run_scoped3A_202 = tpu.sem_alloc : memref<!tpu.dma_semaphore, #tpu.memory_space<semaphore_mem>>
      %dma_start3A_203 = arith.constant 0 : i32
      %dma_start3A_204 = arith.constant 0 : i32
      %dma_start3A_205 = tpu.memref_slice %arg8[%run_scoped3A, %dma_start3A_203, %dma_start3A_204] : memref<2x128x128xbf16, #tpu.memory_space<vmem>> -> memref<1x64x128xbf16, #tpu.memory_space<vmem>>
      %dma_start3A_206 = tpu.memref_squeeze %dma_start3A_205 : memref<1x64x128xbf16, #tpu.memory_space<vmem>> -> memref<64x128xbf16, #tpu.memory_space<vmem>>
      %dma_start3A_207 = arith.constant 0 : i32
      %dma_start3A_208 = tpu.memref_slice %arg14[%add3A_78, %dma_start3A_207] : memref<10240x128xbf16, #tpu.memory_space<vmem_shared>> -> memref<64x128xbf16, #tpu.memory_space<vmem_shared>>
      %dma_start3A_209 = arith.constant 0 : i32
      %dma_start3A_210 = tpu.memref_slice %arg14[%add3A_78, %dma_start3A_209] : memref<10240x128xbf16, #tpu.memory_space<vmem_shared>> -> memref<64x128xbf16, #tpu.memory_space<vmem_shared>>
      %dma_start3A_211 = arith.constant 0 : i32
      %dma_start3A_212 = arith.constant 0 : i32
      %dma_start3A_213 = tpu.memref_slice %arg8[%run_scoped3A, %dma_start3A_211, %dma_start3A_212] : memref<2x128x128xbf16, #tpu.memory_space<vmem>> -> memref<1x64x128xbf16, #tpu.memory_space<vmem>>
      %dma_start3A_214 = tpu.memref_squeeze %dma_start3A_213 : memref<1x64x128xbf16, #tpu.memory_space<vmem>> -> memref<64x128xbf16, #tpu.memory_space<vmem>>
      tpu.enqueue_dma source(%dma_start3A_214 : memref<64x128xbf16, #tpu.memory_space<vmem>>) target(%dma_start3A_210 : memref<64x128xbf16, #tpu.memory_space<vmem_shared>>) target_semaphore(%run_scoped3A_202 : memref<!tpu.dma_semaphore, #tpu.memory_space<semaphore_mem>>)
      %dma_wait3A = arith.constant 0 : i32
      %dma_wait3A_215 = arith.constant 0 : i32
      %dma_wait3A_216 = tpu.memref_slice %arg8[%run_scoped3A, %dma_wait3A, %dma_wait3A_215] : memref<2x128x128xbf16, #tpu.memory_space<vmem>> -> memref<1x64x128xbf16, #tpu.memory_space<vmem>>
      %dma_wait3A_217 = tpu.memref_squeeze %dma_wait3A_216 : memref<1x64x128xbf16, #tpu.memory_space<vmem>> -> memref<64x128xbf16, #tpu.memory_space<vmem>>
      %dma_wait3A_218 = arith.constant 0 : i32
      %dma_wait3A_219 = tpu.memref_slice %arg14[%add3A_78, %dma_wait3A_218] : memref<10240x128xbf16, #tpu.memory_space<vmem_shared>> -> memref<64x128xbf16, #tpu.memory_space<vmem_shared>>
      %dma_wait3A_220 = arith.constant 0 : i32
      %dma_wait3A_221 = tpu.memref_slice %arg14[%add3A_78, %dma_wait3A_220] : memref<10240x128xbf16, #tpu.memory_space<vmem_shared>> -> memref<64x128xbf16, #tpu.memory_space<vmem_shared>>
      %dma_wait3A_222 = arith.constant 0 : i32
      %dma_wait3A_223 = arith.constant 0 : i32
      %dma_wait3A_224 = tpu.memref_slice %arg8[%run_scoped3A, %dma_wait3A_222, %dma_wait3A_223] : memref<2x128x128xbf16, #tpu.memory_space<vmem>> -> memref<1x64x128xbf16, #tpu.memory_space<vmem>>
      %dma_wait3A_225 = tpu.memref_squeeze %dma_wait3A_224 : memref<1x64x128xbf16, #tpu.memory_space<vmem>> -> memref<64x128xbf16, #tpu.memory_space<vmem>>
      tpu.wait_dma2 semaphore(%run_scoped3A_202 : memref<!tpu.dma_semaphore, #tpu.memory_space<semaphore_mem>>) src(%dma_wait3A_225 : memref<64x128xbf16, #tpu.memory_space<vmem>>) dst(%dma_wait3A_221 : memref<64x128xbf16, #tpu.memory_space<vmem_shared>>)
      tpu.yield
    }) : () -> ()
    "tpu.region"() ({
      %run_scoped3A_202 = tpu.sem_alloc : memref<!tpu.dma_semaphore, #tpu.memory_space<semaphore_mem>>
      %dma_start3A_203 = tpu.memref_slice %arg15[%add3A_78] : memref<10240xf32, #tpu.memory_space<vmem_shared>> -> memref<64xf32, #tpu.memory_space<vmem_shared>>
      %dma_start3A_204 = tpu.memref_slice %arg15[%add3A_78] : memref<10240xf32, #tpu.memory_space<vmem_shared>> -> memref<64xf32, #tpu.memory_space<vmem_shared>>
      tpu.enqueue_dma source(%arg10 : memref<64xf32, #tpu.memory_space<vmem>>) target(%dma_start3A_204 : memref<64xf32, #tpu.memory_space<vmem_shared>>) target_semaphore(%run_scoped3A_202 : memref<!tpu.dma_semaphore, #tpu.memory_space<semaphore_mem>>)
      %dma_wait3A = tpu.memref_slice %arg15[%add3A_78] : memref<10240xf32, #tpu.memory_space<vmem_shared>> -> memref<64xf32, #tpu.memory_space<vmem_shared>>
      %dma_wait3A_205 = tpu.memref_slice %arg15[%add3A_78] : memref<10240xf32, #tpu.memory_space<vmem_shared>> -> memref<64xf32, #tpu.memory_space<vmem_shared>>
      tpu.wait_dma2 semaphore(%run_scoped3A_202 : memref<!tpu.dma_semaphore, #tpu.memory_space<semaphore_mem>>) src(%arg10 : memref<64xf32, #tpu.memory_space<vmem>>) dst(%dma_wait3A_205 : memref<64xf32, #tpu.memory_space<vmem_shared>>)
      tpu.yield
    }) : () -> ()
    %mul3A_79 = arith.constant 640 : i32
    %mul3A_80 = arith.muli %arg1, %mul3A_79 : i32
    %add3A_81 = arith.constant 64 : i32
    %add3A_82 = arith.addi %mul3A_80, %add3A_81 : i32
    %run_scoped3A_83 = arith.constant 0 : i32
    "tpu.region"() ({
      %run_scoped3A_202 = tpu.sem_alloc : memref<!tpu.dma_semaphore, #tpu.memory_space<semaphore_mem>>
      %dma_start3A_203 = arith.constant 0 : i32
      %dma_start3A_204 = arith.constant 0 : i32
      %dma_start3A_205 = tpu.memref_slice %arg8[%run_scoped3A_83, %dma_start3A_203, %dma_start3A_204] : memref<2x128x128xbf16, #tpu.memory_space<vmem>> -> memref<1x64x128xbf16, #tpu.memory_space<vmem>>
      %dma_start3A_206 = tpu.memref_squeeze %dma_start3A_205 : memref<1x64x128xbf16, #tpu.memory_space<vmem>> -> memref<64x128xbf16, #tpu.memory_space<vmem>>
      %dma_start3A_207 = arith.constant 0 : i32
      %dma_start3A_208 = tpu.memref_slice %arg14[%add3A_82, %dma_start3A_207] : memref<10240x128xbf16, #tpu.memory_space<vmem_shared>> -> memref<64x128xbf16, #tpu.memory_space<vmem_shared>>
      %dma_start3A_209 = arith.constant 0 : i32
      %dma_start3A_210 = tpu.memref_slice %arg14[%add3A_82, %dma_start3A_209] : memref<10240x128xbf16, #tpu.memory_space<vmem_shared>> -> memref<64x128xbf16, #tpu.memory_space<vmem_shared>>
      %dma_start3A_211 = arith.constant 0 : i32
      %dma_start3A_212 = arith.constant 0 : i32
      %dma_start3A_213 = tpu.memref_slice %arg8[%run_scoped3A_83, %dma_start3A_211, %dma_start3A_212] : memref<2x128x128xbf16, #tpu.memory_space<vmem>> -> memref<1x64x128xbf16, #tpu.memory_space<vmem>>
      %dma_start3A_214 = tpu.memref_squeeze %dma_start3A_213 : memref<1x64x128xbf16, #tpu.memory_space<vmem>> -> memref<64x128xbf16, #tpu.memory_space<vmem>>
      tpu.enqueue_dma source(%dma_start3A_214 : memref<64x128xbf16, #tpu.memory_space<vmem>>) target(%dma_start3A_210 : memref<64x128xbf16, #tpu.memory_space<vmem_shared>>) target_semaphore(%run_scoped3A_202 : memref<!tpu.dma_semaphore, #tpu.memory_space<semaphore_mem>>)
      %dma_wait3A = arith.constant 0 : i32
      %dma_wait3A_215 = arith.constant 0 : i32
      %dma_wait3A_216 = tpu.memref_slice %arg8[%run_scoped3A_83, %dma_wait3A, %dma_wait3A_215] : memref<2x128x128xbf16, #tpu.memory_space<vmem>> -> memref<1x64x128xbf16, #tpu.memory_space<vmem>>
      %dma_wait3A_217 = tpu.memref_squeeze %dma_wait3A_216 : memref<1x64x128xbf16, #tpu.memory_space<vmem>> -> memref<64x128xbf16, #tpu.memory_space<vmem>>
      %dma_wait3A_218 = arith.constant 0 : i32
      %dma_wait3A_219 = tpu.memref_slice %arg14[%add3A_82, %dma_wait3A_218] : memref<10240x128xbf16, #tpu.memory_space<vmem_shared>> -> memref<64x128xbf16, #tpu.memory_space<vmem_shared>>
      %dma_wait3A_220 = arith.constant 0 : i32
      %dma_wait3A_221 = tpu.memref_slice %arg14[%add3A_82, %dma_wait3A_220] : memref<10240x128xbf16, #tpu.memory_space<vmem_shared>> -> memref<64x128xbf16, #tpu.memory_space<vmem_shared>>
      %dma_wait3A_222 = arith.constant 0 : i32
      %dma_wait3A_223 = arith.constant 0 : i32
      %dma_wait3A_224 = tpu.memref_slice %arg8[%run_scoped3A_83, %dma_wait3A_222, %dma_wait3A_223] : memref<2x128x128xbf16, #tpu.memory_space<vmem>> -> memref<1x64x128xbf16, #tpu.memory_space<vmem>>
      %dma_wait3A_225 = tpu.memref_squeeze %dma_wait3A_224 : memref<1x64x128xbf16, #tpu.memory_space<vmem>> -> memref<64x128xbf16, #tpu.memory_space<vmem>>
      tpu.wait_dma2 semaphore(%run_scoped3A_202 : memref<!tpu.dma_semaphore, #tpu.memory_space<semaphore_mem>>) src(%dma_wait3A_225 : memref<64x128xbf16, #tpu.memory_space<vmem>>) dst(%dma_wait3A_221 : memref<64x128xbf16, #tpu.memory_space<vmem_shared>>)
      tpu.yield
    }) : () -> ()
    "tpu.region"() ({
      %run_scoped3A_202 = tpu.sem_alloc : memref<!tpu.dma_semaphore, #tpu.memory_space<semaphore_mem>>
      %dma_start3A_203 = tpu.memref_slice %arg15[%add3A_82] : memref<10240xf32, #tpu.memory_space<vmem_shared>> -> memref<64xf32, #tpu.memory_space<vmem_shared>>
      %dma_start3A_204 = tpu.memref_slice %arg15[%add3A_82] : memref<10240xf32, #tpu.memory_space<vmem_shared>> -> memref<64xf32, #tpu.memory_space<vmem_shared>>
      tpu.enqueue_dma source(%arg10 : memref<64xf32, #tpu.memory_space<vmem>>) target(%dma_start3A_204 : memref<64xf32, #tpu.memory_space<vmem_shared>>) target_semaphore(%run_scoped3A_202 : memref<!tpu.dma_semaphore, #tpu.memory_space<semaphore_mem>>)
      %dma_wait3A = tpu.memref_slice %arg15[%add3A_82] : memref<10240xf32, #tpu.memory_space<vmem_shared>> -> memref<64xf32, #tpu.memory_space<vmem_shared>>
      %dma_wait3A_205 = tpu.memref_slice %arg15[%add3A_82] : memref<10240xf32, #tpu.memory_space<vmem_shared>> -> memref<64xf32, #tpu.memory_space<vmem_shared>>
      tpu.wait_dma2 semaphore(%run_scoped3A_202 : memref<!tpu.dma_semaphore, #tpu.memory_space<semaphore_mem>>) src(%arg10 : memref<64xf32, #tpu.memory_space<vmem>>) dst(%dma_wait3A_205 : memref<64xf32, #tpu.memory_space<vmem_shared>>)
      tpu.yield
    }) : () -> ()
    %mul3A_84 = arith.constant 640 : i32
    %mul3A_85 = arith.muli %arg1, %mul3A_84 : i32
    %add3A_86 = arith.constant 128 : i32
    %add3A_87 = arith.addi %mul3A_85, %add3A_86 : i32
    %run_scoped3A_88 = arith.constant 0 : i32
    "tpu.region"() ({
      %run_scoped3A_202 = tpu.sem_alloc : memref<!tpu.dma_semaphore, #tpu.memory_space<semaphore_mem>>
      %dma_start3A_203 = arith.constant 0 : i32
      %dma_start3A_204 = arith.constant 0 : i32
      %dma_start3A_205 = tpu.memref_slice %arg8[%run_scoped3A_88, %dma_start3A_203, %dma_start3A_204] : memref<2x128x128xbf16, #tpu.memory_space<vmem>> -> memref<1x64x128xbf16, #tpu.memory_space<vmem>>
      %dma_start3A_206 = tpu.memref_squeeze %dma_start3A_205 : memref<1x64x128xbf16, #tpu.memory_space<vmem>> -> memref<64x128xbf16, #tpu.memory_space<vmem>>
      %dma_start3A_207 = arith.constant 0 : i32
      %dma_start3A_208 = tpu.memref_slice %arg14[%add3A_87, %dma_start3A_207] : memref<10240x128xbf16, #tpu.memory_space<vmem_shared>> -> memref<64x128xbf16, #tpu.memory_space<vmem_shared>>
      %dma_start3A_209 = arith.constant 0 : i32
      %dma_start3A_210 = tpu.memref_slice %arg14[%add3A_87, %dma_start3A_209] : memref<10240x128xbf16, #tpu.memory_space<vmem_shared>> -> memref<64x128xbf16, #tpu.memory_space<vmem_shared>>
      %dma_start3A_211 = arith.constant 0 : i32
      %dma_start3A_212 = arith.constant 0 : i32
      %dma_start3A_213 = tpu.memref_slice %arg8[%run_scoped3A_88, %dma_start3A_211, %dma_start3A_212] : memref<2x128x128xbf16, #tpu.memory_space<vmem>> -> memref<1x64x128xbf16, #tpu.memory_space<vmem>>
      %dma_start3A_214 = tpu.memref_squeeze %dma_start3A_213 : memref<1x64x128xbf16, #tpu.memory_space<vmem>> -> memref<64x128xbf16, #tpu.memory_space<vmem>>
      tpu.enqueue_dma source(%dma_start3A_214 : memref<64x128xbf16, #tpu.memory_space<vmem>>) target(%dma_start3A_210 : memref<64x128xbf16, #tpu.memory_space<vmem_shared>>) target_semaphore(%run_scoped3A_202 : memref<!tpu.dma_semaphore, #tpu.memory_space<semaphore_mem>>)
      %dma_wait3A = arith.constant 0 : i32
      %dma_wait3A_215 = arith.constant 0 : i32
      %dma_wait3A_216 = tpu.memref_slice %arg8[%run_scoped3A_88, %dma_wait3A, %dma_wait3A_215] : memref<2x128x128xbf16, #tpu.memory_space<vmem>> -> memref<1x64x128xbf16, #tpu.memory_space<vmem>>
      %dma_wait3A_217 = tpu.memref_squeeze %dma_wait3A_216 : memref<1x64x128xbf16, #tpu.memory_space<vmem>> -> memref<64x128xbf16, #tpu.memory_space<vmem>>
      %dma_wait3A_218 = arith.constant 0 : i32
      %dma_wait3A_219 = tpu.memref_slice %arg14[%add3A_87, %dma_wait3A_218] : memref<10240x128xbf16, #tpu.memory_space<vmem_shared>> -> memref<64x128xbf16, #tpu.memory_space<vmem_shared>>
      %dma_wait3A_220 = arith.constant 0 : i32
      %dma_wait3A_221 = tpu.memref_slice %arg14[%add3A_87, %dma_wait3A_220] : memref<10240x128xbf16, #tpu.memory_space<vmem_shared>> -> memref<64x128xbf16, #tpu.memory_space<vmem_shared>>
      %dma_wait3A_222 = arith.constant 0 : i32
      %dma_wait3A_223 = arith.constant 0 : i32
      %dma_wait3A_224 = tpu.memref_slice %arg8[%run_scoped3A_88, %dma_wait3A_222, %dma_wait3A_223] : memref<2x128x128xbf16, #tpu.memory_space<vmem>> -> memref<1x64x128xbf16, #tpu.memory_space<vmem>>
      %dma_wait3A_225 = tpu.memref_squeeze %dma_wait3A_224 : memref<1x64x128xbf16, #tpu.memory_space<vmem>> -> memref<64x128xbf16, #tpu.memory_space<vmem>>
      tpu.wait_dma2 semaphore(%run_scoped3A_202 : memref<!tpu.dma_semaphore, #tpu.memory_space<semaphore_mem>>) src(%dma_wait3A_225 : memref<64x128xbf16, #tpu.memory_space<vmem>>) dst(%dma_wait3A_221 : memref<64x128xbf16, #tpu.memory_space<vmem_shared>>)
      tpu.yield
    }) : () -> ()
    "tpu.region"() ({
      %run_scoped3A_202 = tpu.sem_alloc : memref<!tpu.dma_semaphore, #tpu.memory_space<semaphore_mem>>
      %dma_start3A_203 = tpu.memref_slice %arg15[%add3A_87] : memref<10240xf32, #tpu.memory_space<vmem_shared>> -> memref<64xf32, #tpu.memory_space<vmem_shared>>
      %dma_start3A_204 = tpu.memref_slice %arg15[%add3A_87] : memref<10240xf32, #tpu.memory_space<vmem_shared>> -> memref<64xf32, #tpu.memory_space<vmem_shared>>
      tpu.enqueue_dma source(%arg10 : memref<64xf32, #tpu.memory_space<vmem>>) target(%dma_start3A_204 : memref<64xf32, #tpu.memory_space<vmem_shared>>) target_semaphore(%run_scoped3A_202 : memref<!tpu.dma_semaphore, #tpu.memory_space<semaphore_mem>>)
      %dma_wait3A = tpu.memref_slice %arg15[%add3A_87] : memref<10240xf32, #tpu.memory_space<vmem_shared>> -> memref<64xf32, #tpu.memory_space<vmem_shared>>
      %dma_wait3A_205 = tpu.memref_slice %arg15[%add3A_87] : memref<10240xf32, #tpu.memory_space<vmem_shared>> -> memref<64xf32, #tpu.memory_space<vmem_shared>>
      tpu.wait_dma2 semaphore(%run_scoped3A_202 : memref<!tpu.dma_semaphore, #tpu.memory_space<semaphore_mem>>) src(%arg10 : memref<64xf32, #tpu.memory_space<vmem>>) dst(%dma_wait3A_205 : memref<64xf32, #tpu.memory_space<vmem_shared>>)
      tpu.yield
    }) : () -> ()
    %mul3A_89 = arith.constant 640 : i32
    %mul3A_90 = arith.muli %arg1, %mul3A_89 : i32
    %add3A_91 = arith.constant 192 : i32
    %add3A_92 = arith.addi %mul3A_90, %add3A_91 : i32
    %run_scoped3A_93 = arith.constant 0 : i32
    "tpu.region"() ({
      %run_scoped3A_202 = tpu.sem_alloc : memref<!tpu.dma_semaphore, #tpu.memory_space<semaphore_mem>>
      %dma_start3A_203 = arith.constant 0 : i32
      %dma_start3A_204 = arith.constant 0 : i32
      %dma_start3A_205 = tpu.memref_slice %arg8[%run_scoped3A_93, %dma_start3A_203, %dma_start3A_204] : memref<2x128x128xbf16, #tpu.memory_space<vmem>> -> memref<1x64x128xbf16, #tpu.memory_space<vmem>>
      %dma_start3A_206 = tpu.memref_squeeze %dma_start3A_205 : memref<1x64x128xbf16, #tpu.memory_space<vmem>> -> memref<64x128xbf16, #tpu.memory_space<vmem>>
      %dma_start3A_207 = arith.constant 0 : i32
      %dma_start3A_208 = tpu.memref_slice %arg14[%add3A_92, %dma_start3A_207] : memref<10240x128xbf16, #tpu.memory_space<vmem_shared>> -> memref<64x128xbf16, #tpu.memory_space<vmem_shared>>
      %dma_start3A_209 = arith.constant 0 : i32
      %dma_start3A_210 = tpu.memref_slice %arg14[%add3A_92, %dma_start3A_209] : memref<10240x128xbf16, #tpu.memory_space<vmem_shared>> -> memref<64x128xbf16, #tpu.memory_space<vmem_shared>>
      %dma_start3A_211 = arith.constant 0 : i32
      %dma_start3A_212 = arith.constant 0 : i32
      %dma_start3A_213 = tpu.memref_slice %arg8[%run_scoped3A_93, %dma_start3A_211, %dma_start3A_212] : memref<2x128x128xbf16, #tpu.memory_space<vmem>> -> memref<1x64x128xbf16, #tpu.memory_space<vmem>>
      %dma_start3A_214 = tpu.memref_squeeze %dma_start3A_213 : memref<1x64x128xbf16, #tpu.memory_space<vmem>> -> memref<64x128xbf16, #tpu.memory_space<vmem>>
      tpu.enqueue_dma source(%dma_start3A_214 : memref<64x128xbf16, #tpu.memory_space<vmem>>) target(%dma_start3A_210 : memref<64x128xbf16, #tpu.memory_space<vmem_shared>>) target_semaphore(%run_scoped3A_202 : memref<!tpu.dma_semaphore, #tpu.memory_space<semaphore_mem>>)
      %dma_wait3A = arith.constant 0 : i32
      %dma_wait3A_215 = arith.constant 0 : i32
      %dma_wait3A_216 = tpu.memref_slice %arg8[%run_scoped3A_93, %dma_wait3A, %dma_wait3A_215] : memref<2x128x128xbf16, #tpu.memory_space<vmem>> -> memref<1x64x128xbf16, #tpu.memory_space<vmem>>
      %dma_wait3A_217 = tpu.memref_squeeze %dma_wait3A_216 : memref<1x64x128xbf16, #tpu.memory_space<vmem>> -> memref<64x128xbf16, #tpu.memory_space<vmem>>
      %dma_wait3A_218 = arith.constant 0 : i32
      %dma_wait3A_219 = tpu.memref_slice %arg14[%add3A_92, %dma_wait3A_218] : memref<10240x128xbf16, #tpu.memory_space<vmem_shared>> -> memref<64x128xbf16, #tpu.memory_space<vmem_shared>>
      %dma_wait3A_220 = arith.constant 0 : i32
      %dma_wait3A_221 = tpu.memref_slice %arg14[%add3A_92, %dma_wait3A_220] : memref<10240x128xbf16, #tpu.memory_space<vmem_shared>> -> memref<64x128xbf16, #tpu.memory_space<vmem_shared>>
      %dma_wait3A_222 = arith.constant 0 : i32
      %dma_wait3A_223 = arith.constant 0 : i32
      %dma_wait3A_224 = tpu.memref_slice %arg8[%run_scoped3A_93, %dma_wait3A_222, %dma_wait3A_223] : memref<2x128x128xbf16, #tpu.memory_space<vmem>> -> memref<1x64x128xbf16, #tpu.memory_space<vmem>>
      %dma_wait3A_225 = tpu.memref_squeeze %dma_wait3A_224 : memref<1x64x128xbf16, #tpu.memory_space<vmem>> -> memref<64x128xbf16, #tpu.memory_space<vmem>>
      tpu.wait_dma2 semaphore(%run_scoped3A_202 : memref<!tpu.dma_semaphore, #tpu.memory_space<semaphore_mem>>) src(%dma_wait3A_225 : memref<64x128xbf16, #tpu.memory_space<vmem>>) dst(%dma_wait3A_221 : memref<64x128xbf16, #tpu.memory_space<vmem_shared>>)
      tpu.yield
    }) : () -> ()
    "tpu.region"() ({
      %run_scoped3A_202 = tpu.sem_alloc : memref<!tpu.dma_semaphore, #tpu.memory_space<semaphore_mem>>
      %dma_start3A_203 = tpu.memref_slice %arg15[%add3A_92] : memref<10240xf32, #tpu.memory_space<vmem_shared>> -> memref<64xf32, #tpu.memory_space<vmem_shared>>
      %dma_start3A_204 = tpu.memref_slice %arg15[%add3A_92] : memref<10240xf32, #tpu.memory_space<vmem_shared>> -> memref<64xf32, #tpu.memory_space<vmem_shared>>
      tpu.enqueue_dma source(%arg10 : memref<64xf32, #tpu.memory_space<vmem>>) target(%dma_start3A_204 : memref<64xf32, #tpu.memory_space<vmem_shared>>) target_semaphore(%run_scoped3A_202 : memref<!tpu.dma_semaphore, #tpu.memory_space<semaphore_mem>>)
      %dma_wait3A = tpu.memref_slice %arg15[%add3A_92] : memref<10240xf32, #tpu.memory_space<vmem_shared>> -> memref<64xf32, #tpu.memory_space<vmem_shared>>
      %dma_wait3A_205 = tpu.memref_slice %arg15[%add3A_92] : memref<10240xf32, #tpu.memory_space<vmem_shared>> -> memref<64xf32, #tpu.memory_space<vmem_shared>>
      tpu.wait_dma2 semaphore(%run_scoped3A_202 : memref<!tpu.dma_semaphore, #tpu.memory_space<semaphore_mem>>) src(%arg10 : memref<64xf32, #tpu.memory_space<vmem>>) dst(%dma_wait3A_205 : memref<64xf32, #tpu.memory_space<vmem_shared>>)
      tpu.yield
    }) : () -> ()
    %mul3A_94 = arith.constant 640 : i32
    %mul3A_95 = arith.muli %arg1, %mul3A_94 : i32
    %add3A_96 = arith.constant 256 : i32
    %add3A_97 = arith.addi %mul3A_95, %add3A_96 : i32
    %run_scoped3A_98 = arith.constant 0 : i32
    "tpu.region"() ({
      %run_scoped3A_202 = tpu.sem_alloc : memref<!tpu.dma_semaphore, #tpu.memory_space<semaphore_mem>>
      %dma_start3A_203 = arith.constant 0 : i32
      %dma_start3A_204 = arith.constant 0 : i32
      %dma_start3A_205 = tpu.memref_slice %arg8[%run_scoped3A_98, %dma_start3A_203, %dma_start3A_204] : memref<2x128x128xbf16, #tpu.memory_space<vmem>> -> memref<1x64x128xbf16, #tpu.memory_space<vmem>>
      %dma_start3A_206 = tpu.memref_squeeze %dma_start3A_205 : memref<1x64x128xbf16, #tpu.memory_space<vmem>> -> memref<64x128xbf16, #tpu.memory_space<vmem>>
      %dma_start3A_207 = arith.constant 0 : i32
      %dma_start3A_208 = tpu.memref_slice %arg14[%add3A_97, %dma_start3A_207] : memref<10240x128xbf16, #tpu.memory_space<vmem_shared>> -> memref<64x128xbf16, #tpu.memory_space<vmem_shared>>
      %dma_start3A_209 = arith.constant 0 : i32
      %dma_start3A_210 = tpu.memref_slice %arg14[%add3A_97, %dma_start3A_209] : memref<10240x128xbf16, #tpu.memory_space<vmem_shared>> -> memref<64x128xbf16, #tpu.memory_space<vmem_shared>>
      %dma_start3A_211 = arith.constant 0 : i32
      %dma_start3A_212 = arith.constant 0 : i32
      %dma_start3A_213 = tpu.memref_slice %arg8[%run_scoped3A_98, %dma_start3A_211, %dma_start3A_212] : memref<2x128x128xbf16, #tpu.memory_space<vmem>> -> memref<1x64x128xbf16, #tpu.memory_space<vmem>>
      %dma_start3A_214 = tpu.memref_squeeze %dma_start3A_213 : memref<1x64x128xbf16, #tpu.memory_space<vmem>> -> memref<64x128xbf16, #tpu.memory_space<vmem>>
      tpu.enqueue_dma source(%dma_start3A_214 : memref<64x128xbf16, #tpu.memory_space<vmem>>) target(%dma_start3A_210 : memref<64x128xbf16, #tpu.memory_space<vmem_shared>>) target_semaphore(%run_scoped3A_202 : memref<!tpu.dma_semaphore, #tpu.memory_space<semaphore_mem>>)
      %dma_wait3A = arith.constant 0 : i32
      %dma_wait3A_215 = arith.constant 0 : i32
      %dma_wait3A_216 = tpu.memref_slice %arg8[%run_scoped3A_98, %dma_wait3A, %dma_wait3A_215] : memref<2x128x128xbf16, #tpu.memory_space<vmem>> -> memref<1x64x128xbf16, #tpu.memory_space<vmem>>
      %dma_wait3A_217 = tpu.memref_squeeze %dma_wait3A_216 : memref<1x64x128xbf16, #tpu.memory_space<vmem>> -> memref<64x128xbf16, #tpu.memory_space<vmem>>
      %dma_wait3A_218 = arith.constant 0 : i32
      %dma_wait3A_219 = tpu.memref_slice %arg14[%add3A_97, %dma_wait3A_218] : memref<10240x128xbf16, #tpu.memory_space<vmem_shared>> -> memref<64x128xbf16, #tpu.memory_space<vmem_shared>>
      %dma_wait3A_220 = arith.constant 0 : i32
      %dma_wait3A_221 = tpu.memref_slice %arg14[%add3A_97, %dma_wait3A_220] : memref<10240x128xbf16, #tpu.memory_space<vmem_shared>> -> memref<64x128xbf16, #tpu.memory_space<vmem_shared>>
      %dma_wait3A_222 = arith.constant 0 : i32
      %dma_wait3A_223 = arith.constant 0 : i32
      %dma_wait3A_224 = tpu.memref_slice %arg8[%run_scoped3A_98, %dma_wait3A_222, %dma_wait3A_223] : memref<2x128x128xbf16, #tpu.memory_space<vmem>> -> memref<1x64x128xbf16, #tpu.memory_space<vmem>>
      %dma_wait3A_225 = tpu.memref_squeeze %dma_wait3A_224 : memref<1x64x128xbf16, #tpu.memory_space<vmem>> -> memref<64x128xbf16, #tpu.memory_space<vmem>>
      tpu.wait_dma2 semaphore(%run_scoped3A_202 : memref<!tpu.dma_semaphore, #tpu.memory_space<semaphore_mem>>) src(%dma_wait3A_225 : memref<64x128xbf16, #tpu.memory_space<vmem>>) dst(%dma_wait3A_221 : memref<64x128xbf16, #tpu.memory_space<vmem_shared>>)
      tpu.yield
    }) : () -> ()
    "tpu.region"() ({
      %run_scoped3A_202 = tpu.sem_alloc : memref<!tpu.dma_semaphore, #tpu.memory_space<semaphore_mem>>
      %dma_start3A_203 = tpu.memref_slice %arg15[%add3A_97] : memref<10240xf32, #tpu.memory_space<vmem_shared>> -> memref<64xf32, #tpu.memory_space<vmem_shared>>
      %dma_start3A_204 = tpu.memref_slice %arg15[%add3A_97] : memref<10240xf32, #tpu.memory_space<vmem_shared>> -> memref<64xf32, #tpu.memory_space<vmem_shared>>
      tpu.enqueue_dma source(%arg10 : memref<64xf32, #tpu.memory_space<vmem>>) target(%dma_start3A_204 : memref<64xf32, #tpu.memory_space<vmem_shared>>) target_semaphore(%run_scoped3A_202 : memref<!tpu.dma_semaphore, #tpu.memory_space<semaphore_mem>>)
      %dma_wait3A = tpu.memref_slice %arg15[%add3A_97] : memref<10240xf32, #tpu.memory_space<vmem_shared>> -> memref<64xf32, #tpu.memory_space<vmem_shared>>
      %dma_wait3A_205 = tpu.memref_slice %arg15[%add3A_97] : memref<10240xf32, #tpu.memory_space<vmem_shared>> -> memref<64xf32, #tpu.memory_space<vmem_shared>>
      tpu.wait_dma2 semaphore(%run_scoped3A_202 : memref<!tpu.dma_semaphore, #tpu.memory_space<semaphore_mem>>) src(%arg10 : memref<64xf32, #tpu.memory_space<vmem>>) dst(%dma_wait3A_205 : memref<64xf32, #tpu.memory_space<vmem_shared>>)
      tpu.yield
    }) : () -> ()
    %mul3A_99 = arith.constant 640 : i32
    %mul3A_100 = arith.muli %arg1, %mul3A_99 : i32
    %add3A_101 = arith.constant 320 : i32
    %add3A_102 = arith.addi %mul3A_100, %add3A_101 : i32
    %run_scoped3A_103 = arith.constant 0 : i32
    "tpu.region"() ({
      %run_scoped3A_202 = tpu.sem_alloc : memref<!tpu.dma_semaphore, #tpu.memory_space<semaphore_mem>>
      %dma_start3A_203 = arith.constant 0 : i32
      %dma_start3A_204 = arith.constant 0 : i32
      %dma_start3A_205 = tpu.memref_slice %arg8[%run_scoped3A_103, %dma_start3A_203, %dma_start3A_204] : memref<2x128x128xbf16, #tpu.memory_space<vmem>> -> memref<1x64x128xbf16, #tpu.memory_space<vmem>>
      %dma_start3A_206 = tpu.memref_squeeze %dma_start3A_205 : memref<1x64x128xbf16, #tpu.memory_space<vmem>> -> memref<64x128xbf16, #tpu.memory_space<vmem>>
      %dma_start3A_207 = arith.constant 0 : i32
      %dma_start3A_208 = tpu.memref_slice %arg14[%add3A_102, %dma_start3A_207] : memref<10240x128xbf16, #tpu.memory_space<vmem_shared>> -> memref<64x128xbf16, #tpu.memory_space<vmem_shared>>
      %dma_start3A_209 = arith.constant 0 : i32
      %dma_start3A_210 = tpu.memref_slice %arg14[%add3A_102, %dma_start3A_209] : memref<10240x128xbf16, #tpu.memory_space<vmem_shared>> -> memref<64x128xbf16, #tpu.memory_space<vmem_shared>>
      %dma_start3A_211 = arith.constant 0 : i32
      %dma_start3A_212 = arith.constant 0 : i32
      %dma_start3A_213 = tpu.memref_slice %arg8[%run_scoped3A_103, %dma_start3A_211, %dma_start3A_212] : memref<2x128x128xbf16, #tpu.memory_space<vmem>> -> memref<1x64x128xbf16, #tpu.memory_space<vmem>>
      %dma_start3A_214 = tpu.memref_squeeze %dma_start3A_213 : memref<1x64x128xbf16, #tpu.memory_space<vmem>> -> memref<64x128xbf16, #tpu.memory_space<vmem>>
      tpu.enqueue_dma source(%dma_start3A_214 : memref<64x128xbf16, #tpu.memory_space<vmem>>) target(%dma_start3A_210 : memref<64x128xbf16, #tpu.memory_space<vmem_shared>>) target_semaphore(%run_scoped3A_202 : memref<!tpu.dma_semaphore, #tpu.memory_space<semaphore_mem>>)
      %dma_wait3A = arith.constant 0 : i32
      %dma_wait3A_215 = arith.constant 0 : i32
      %dma_wait3A_216 = tpu.memref_slice %arg8[%run_scoped3A_103, %dma_wait3A, %dma_wait3A_215] : memref<2x128x128xbf16, #tpu.memory_space<vmem>> -> memref<1x64x128xbf16, #tpu.memory_space<vmem>>
      %dma_wait3A_217 = tpu.memref_squeeze %dma_wait3A_216 : memref<1x64x128xbf16, #tpu.memory_space<vmem>> -> memref<64x128xbf16, #tpu.memory_space<vmem>>
      %dma_wait3A_218 = arith.constant 0 : i32
      %dma_wait3A_219 = tpu.memref_slice %arg14[%add3A_102, %dma_wait3A_218] : memref<10240x128xbf16, #tpu.memory_space<vmem_shared>> -> memref<64x128xbf16, #tpu.memory_space<vmem_shared>>
      %dma_wait3A_220 = arith.constant 0 : i32
      %dma_wait3A_221 = tpu.memref_slice %arg14[%add3A_102, %dma_wait3A_220] : memref<10240x128xbf16, #tpu.memory_space<vmem_shared>> -> memref<64x128xbf16, #tpu.memory_space<vmem_shared>>
      %dma_wait3A_222 = arith.constant 0 : i32
      %dma_wait3A_223 = arith.constant 0 : i32
      %dma_wait3A_224 = tpu.memref_slice %arg8[%run_scoped3A_103, %dma_wait3A_222, %dma_wait3A_223] : memref<2x128x128xbf16, #tpu.memory_space<vmem>> -> memref<1x64x128xbf16, #tpu.memory_space<vmem>>
      %dma_wait3A_225 = tpu.memref_squeeze %dma_wait3A_224 : memref<1x64x128xbf16, #tpu.memory_space<vmem>> -> memref<64x128xbf16, #tpu.memory_space<vmem>>
      tpu.wait_dma2 semaphore(%run_scoped3A_202 : memref<!tpu.dma_semaphore, #tpu.memory_space<semaphore_mem>>) src(%dma_wait3A_225 : memref<64x128xbf16, #tpu.memory_space<vmem>>) dst(%dma_wait3A_221 : memref<64x128xbf16, #tpu.memory_space<vmem_shared>>)
      tpu.yield
    }) : () -> ()
    "tpu.region"() ({
      %run_scoped3A_202 = tpu.sem_alloc : memref<!tpu.dma_semaphore, #tpu.memory_space<semaphore_mem>>
      %dma_start3A_203 = tpu.memref_slice %arg15[%add3A_102] : memref<10240xf32, #tpu.memory_space<vmem_shared>> -> memref<64xf32, #tpu.memory_space<vmem_shared>>
      %dma_start3A_204 = tpu.memref_slice %arg15[%add3A_102] : memref<10240xf32, #tpu.memory_space<vmem_shared>> -> memref<64xf32, #tpu.memory_space<vmem_shared>>
      tpu.enqueue_dma source(%arg10 : memref<64xf32, #tpu.memory_space<vmem>>) target(%dma_start3A_204 : memref<64xf32, #tpu.memory_space<vmem_shared>>) target_semaphore(%run_scoped3A_202 : memref<!tpu.dma_semaphore, #tpu.memory_space<semaphore_mem>>)
      %dma_wait3A = tpu.memref_slice %arg15[%add3A_102] : memref<10240xf32, #tpu.memory_space<vmem_shared>> -> memref<64xf32, #tpu.memory_space<vmem_shared>>
      %dma_wait3A_205 = tpu.memref_slice %arg15[%add3A_102] : memref<10240xf32, #tpu.memory_space<vmem_shared>> -> memref<64xf32, #tpu.memory_space<vmem_shared>>
      tpu.wait_dma2 semaphore(%run_scoped3A_202 : memref<!tpu.dma_semaphore, #tpu.memory_space<semaphore_mem>>) src(%arg10 : memref<64xf32, #tpu.memory_space<vmem>>) dst(%dma_wait3A_205 : memref<64xf32, #tpu.memory_space<vmem_shared>>)
      tpu.yield
    }) : () -> ()
    %mul3A_104 = arith.constant 640 : i32
    %mul3A_105 = arith.muli %arg1, %mul3A_104 : i32
    %add3A_106 = arith.constant 384 : i32
    %add3A_107 = arith.addi %mul3A_105, %add3A_106 : i32
    %run_scoped3A_108 = arith.constant 0 : i32
    "tpu.region"() ({
      %run_scoped3A_202 = tpu.sem_alloc : memref<!tpu.dma_semaphore, #tpu.memory_space<semaphore_mem>>
      %dma_start3A_203 = arith.constant 0 : i32
      %dma_start3A_204 = arith.constant 0 : i32
      %dma_start3A_205 = tpu.memref_slice %arg8[%run_scoped3A_108, %dma_start3A_203, %dma_start3A_204] : memref<2x128x128xbf16, #tpu.memory_space<vmem>> -> memref<1x64x128xbf16, #tpu.memory_space<vmem>>
      %dma_start3A_206 = tpu.memref_squeeze %dma_start3A_205 : memref<1x64x128xbf16, #tpu.memory_space<vmem>> -> memref<64x128xbf16, #tpu.memory_space<vmem>>
      %dma_start3A_207 = arith.constant 0 : i32
      %dma_start3A_208 = tpu.memref_slice %arg14[%add3A_107, %dma_start3A_207] : memref<10240x128xbf16, #tpu.memory_space<vmem_shared>> -> memref<64x128xbf16, #tpu.memory_space<vmem_shared>>
      %dma_start3A_209 = arith.constant 0 : i32
      %dma_start3A_210 = tpu.memref_slice %arg14[%add3A_107, %dma_start3A_209] : memref<10240x128xbf16, #tpu.memory_space<vmem_shared>> -> memref<64x128xbf16, #tpu.memory_space<vmem_shared>>
      %dma_start3A_211 = arith.constant 0 : i32
      %dma_start3A_212 = arith.constant 0 : i32
      %dma_start3A_213 = tpu.memref_slice %arg8[%run_scoped3A_108, %dma_start3A_211, %dma_start3A_212] : memref<2x128x128xbf16, #tpu.memory_space<vmem>> -> memref<1x64x128xbf16, #tpu.memory_space<vmem>>
      %dma_start3A_214 = tpu.memref_squeeze %dma_start3A_213 : memref<1x64x128xbf16, #tpu.memory_space<vmem>> -> memref<64x128xbf16, #tpu.memory_space<vmem>>
      tpu.enqueue_dma source(%dma_start3A_214 : memref<64x128xbf16, #tpu.memory_space<vmem>>) target(%dma_start3A_210 : memref<64x128xbf16, #tpu.memory_space<vmem_shared>>) target_semaphore(%run_scoped3A_202 : memref<!tpu.dma_semaphore, #tpu.memory_space<semaphore_mem>>)
      %dma_wait3A = arith.constant 0 : i32
      %dma_wait3A_215 = arith.constant 0 : i32
      %dma_wait3A_216 = tpu.memref_slice %arg8[%run_scoped3A_108, %dma_wait3A, %dma_wait3A_215] : memref<2x128x128xbf16, #tpu.memory_space<vmem>> -> memref<1x64x128xbf16, #tpu.memory_space<vmem>>
      %dma_wait3A_217 = tpu.memref_squeeze %dma_wait3A_216 : memref<1x64x128xbf16, #tpu.memory_space<vmem>> -> memref<64x128xbf16, #tpu.memory_space<vmem>>
      %dma_wait3A_218 = arith.constant 0 : i32
      %dma_wait3A_219 = tpu.memref_slice %arg14[%add3A_107, %dma_wait3A_218] : memref<10240x128xbf16, #tpu.memory_space<vmem_shared>> -> memref<64x128xbf16, #tpu.memory_space<vmem_shared>>
      %dma_wait3A_220 = arith.constant 0 : i32
      %dma_wait3A_221 = tpu.memref_slice %arg14[%add3A_107, %dma_wait3A_220] : memref<10240x128xbf16, #tpu.memory_space<vmem_shared>> -> memref<64x128xbf16, #tpu.memory_space<vmem_shared>>
      %dma_wait3A_222 = arith.constant 0 : i32
      %dma_wait3A_223 = arith.constant 0 : i32
      %dma_wait3A_224 = tpu.memref_slice %arg8[%run_scoped3A_108, %dma_wait3A_222, %dma_wait3A_223] : memref<2x128x128xbf16, #tpu.memory_space<vmem>> -> memref<1x64x128xbf16, #tpu.memory_space<vmem>>
      %dma_wait3A_225 = tpu.memref_squeeze %dma_wait3A_224 : memref<1x64x128xbf16, #tpu.memory_space<vmem>> -> memref<64x128xbf16, #tpu.memory_space<vmem>>
      tpu.wait_dma2 semaphore(%run_scoped3A_202 : memref<!tpu.dma_semaphore, #tpu.memory_space<semaphore_mem>>) src(%dma_wait3A_225 : memref<64x128xbf16, #tpu.memory_space<vmem>>) dst(%dma_wait3A_221 : memref<64x128xbf16, #tpu.memory_space<vmem_shared>>)
      tpu.yield
    }) : () -> ()
    "tpu.region"() ({
      %run_scoped3A_202 = tpu.sem_alloc : memref<!tpu.dma_semaphore, #tpu.memory_space<semaphore_mem>>
      %dma_start3A_203 = tpu.memref_slice %arg15[%add3A_107] : memref<10240xf32, #tpu.memory_space<vmem_shared>> -> memref<64xf32, #tpu.memory_space<vmem_shared>>
      %dma_start3A_204 = tpu.memref_slice %arg15[%add3A_107] : memref<10240xf32, #tpu.memory_space<vmem_shared>> -> memref<64xf32, #tpu.memory_space<vmem_shared>>
      tpu.enqueue_dma source(%arg10 : memref<64xf32, #tpu.memory_space<vmem>>) target(%dma_start3A_204 : memref<64xf32, #tpu.memory_space<vmem_shared>>) target_semaphore(%run_scoped3A_202 : memref<!tpu.dma_semaphore, #tpu.memory_space<semaphore_mem>>)
      %dma_wait3A = tpu.memref_slice %arg15[%add3A_107] : memref<10240xf32, #tpu.memory_space<vmem_shared>> -> memref<64xf32, #tpu.memory_space<vmem_shared>>
      %dma_wait3A_205 = tpu.memref_slice %arg15[%add3A_107] : memref<10240xf32, #tpu.memory_space<vmem_shared>> -> memref<64xf32, #tpu.memory_space<vmem_shared>>
      tpu.wait_dma2 semaphore(%run_scoped3A_202 : memref<!tpu.dma_semaphore, #tpu.memory_space<semaphore_mem>>) src(%arg10 : memref<64xf32, #tpu.memory_space<vmem>>) dst(%dma_wait3A_205 : memref<64xf32, #tpu.memory_space<vmem_shared>>)
      tpu.yield
    }) : () -> ()
    %mul3A_109 = arith.constant 640 : i32
    %mul3A_110 = arith.muli %arg1, %mul3A_109 : i32
    %add3A_111 = arith.constant 448 : i32
    %add3A_112 = arith.addi %mul3A_110, %add3A_111 : i32
    %run_scoped3A_113 = arith.constant 0 : i32
    "tpu.region"() ({
      %run_scoped3A_202 = tpu.sem_alloc : memref<!tpu.dma_semaphore, #tpu.memory_space<semaphore_mem>>
      %dma_start3A_203 = arith.constant 0 : i32
      %dma_start3A_204 = arith.constant 0 : i32
      %dma_start3A_205 = tpu.memref_slice %arg8[%run_scoped3A_113, %dma_start3A_203, %dma_start3A_204] : memref<2x128x128xbf16, #tpu.memory_space<vmem>> -> memref<1x64x128xbf16, #tpu.memory_space<vmem>>
      %dma_start3A_206 = tpu.memref_squeeze %dma_start3A_205 : memref<1x64x128xbf16, #tpu.memory_space<vmem>> -> memref<64x128xbf16, #tpu.memory_space<vmem>>
      %dma_start3A_207 = arith.constant 0 : i32
      %dma_start3A_208 = tpu.memref_slice %arg14[%add3A_112, %dma_start3A_207] : memref<10240x128xbf16, #tpu.memory_space<vmem_shared>> -> memref<64x128xbf16, #tpu.memory_space<vmem_shared>>
      %dma_start3A_209 = arith.constant 0 : i32
      %dma_start3A_210 = tpu.memref_slice %arg14[%add3A_112, %dma_start3A_209] : memref<10240x128xbf16, #tpu.memory_space<vmem_shared>> -> memref<64x128xbf16, #tpu.memory_space<vmem_shared>>
      %dma_start3A_211 = arith.constant 0 : i32
      %dma_start3A_212 = arith.constant 0 : i32
      %dma_start3A_213 = tpu.memref_slice %arg8[%run_scoped3A_113, %dma_start3A_211, %dma_start3A_212] : memref<2x128x128xbf16, #tpu.memory_space<vmem>> -> memref<1x64x128xbf16, #tpu.memory_space<vmem>>
      %dma_start3A_214 = tpu.memref_squeeze %dma_start3A_213 : memref<1x64x128xbf16, #tpu.memory_space<vmem>> -> memref<64x128xbf16, #tpu.memory_space<vmem>>
      tpu.enqueue_dma source(%dma_start3A_214 : memref<64x128xbf16, #tpu.memory_space<vmem>>) target(%dma_start3A_210 : memref<64x128xbf16, #tpu.memory_space<vmem_shared>>) target_semaphore(%run_scoped3A_202 : memref<!tpu.dma_semaphore, #tpu.memory_space<semaphore_mem>>)
      %dma_wait3A = arith.constant 0 : i32
      %dma_wait3A_215 = arith.constant 0 : i32
      %dma_wait3A_216 = tpu.memref_slice %arg8[%run_scoped3A_113, %dma_wait3A, %dma_wait3A_215] : memref<2x128x128xbf16, #tpu.memory_space<vmem>> -> memref<1x64x128xbf16, #tpu.memory_space<vmem>>
      %dma_wait3A_217 = tpu.memref_squeeze %dma_wait3A_216 : memref<1x64x128xbf16, #tpu.memory_space<vmem>> -> memref<64x128xbf16, #tpu.memory_space<vmem>>
      %dma_wait3A_218 = arith.constant 0 : i32
      %dma_wait3A_219 = tpu.memref_slice %arg14[%add3A_112, %dma_wait3A_218] : memref<10240x128xbf16, #tpu.memory_space<vmem_shared>> -> memref<64x128xbf16, #tpu.memory_space<vmem_shared>>
      %dma_wait3A_220 = arith.constant 0 : i32
      %dma_wait3A_221 = tpu.memref_slice %arg14[%add3A_112, %dma_wait3A_220] : memref<10240x128xbf16, #tpu.memory_space<vmem_shared>> -> memref<64x128xbf16, #tpu.memory_space<vmem_shared>>
      %dma_wait3A_222 = arith.constant 0 : i32
      %dma_wait3A_223 = arith.constant 0 : i32
      %dma_wait3A_224 = tpu.memref_slice %arg8[%run_scoped3A_113, %dma_wait3A_222, %dma_wait3A_223] : memref<2x128x128xbf16, #tpu.memory_space<vmem>> -> memref<1x64x128xbf16, #tpu.memory_space<vmem>>
      %dma_wait3A_225 = tpu.memref_squeeze %dma_wait3A_224 : memref<1x64x128xbf16, #tpu.memory_space<vmem>> -> memref<64x128xbf16, #tpu.memory_space<vmem>>
      tpu.wait_dma2 semaphore(%run_scoped3A_202 : memref<!tpu.dma_semaphore, #tpu.memory_space<semaphore_mem>>) src(%dma_wait3A_225 : memref<64x128xbf16, #tpu.memory_space<vmem>>) dst(%dma_wait3A_221 : memref<64x128xbf16, #tpu.memory_space<vmem_shared>>)
      tpu.yield
    }) : () -> ()
    "tpu.region"() ({
      %run_scoped3A_202 = tpu.sem_alloc : memref<!tpu.dma_semaphore, #tpu.memory_space<semaphore_mem>>
      %dma_start3A_203 = tpu.memref_slice %arg15[%add3A_112] : memref<10240xf32, #tpu.memory_space<vmem_shared>> -> memref<64xf32, #tpu.memory_space<vmem_shared>>
      %dma_start3A_204 = tpu.memref_slice %arg15[%add3A_112] : memref<10240xf32, #tpu.memory_space<vmem_shared>> -> memref<64xf32, #tpu.memory_space<vmem_shared>>
      tpu.enqueue_dma source(%arg10 : memref<64xf32, #tpu.memory_space<vmem>>) target(%dma_start3A_204 : memref<64xf32, #tpu.memory_space<vmem_shared>>) target_semaphore(%run_scoped3A_202 : memref<!tpu.dma_semaphore, #tpu.memory_space<semaphore_mem>>)
      %dma_wait3A = tpu.memref_slice %arg15[%add3A_112] : memref<10240xf32, #tpu.memory_space<vmem_shared>> -> memref<64xf32, #tpu.memory_space<vmem_shared>>
      %dma_wait3A_205 = tpu.memref_slice %arg15[%add3A_112] : memref<10240xf32, #tpu.memory_space<vmem_shared>> -> memref<64xf32, #tpu.memory_space<vmem_shared>>
      tpu.wait_dma2 semaphore(%run_scoped3A_202 : memref<!tpu.dma_semaphore, #tpu.memory_space<semaphore_mem>>) src(%arg10 : memref<64xf32, #tpu.memory_space<vmem>>) dst(%dma_wait3A_205 : memref<64xf32, #tpu.memory_space<vmem_shared>>)
      tpu.yield
    }) : () -> ()
    %mul3A_114 = arith.constant 640 : i32
    %mul3A_115 = arith.muli %arg1, %mul3A_114 : i32
    %add3A_116 = arith.constant 512 : i32
    %add3A_117 = arith.addi %mul3A_115, %add3A_116 : i32
    %run_scoped3A_118 = arith.constant 0 : i32
    "tpu.region"() ({
      %run_scoped3A_202 = tpu.sem_alloc : memref<!tpu.dma_semaphore, #tpu.memory_space<semaphore_mem>>
      %dma_start3A_203 = arith.constant 0 : i32
      %dma_start3A_204 = arith.constant 0 : i32
      %dma_start3A_205 = tpu.memref_slice %arg8[%run_scoped3A_118, %dma_start3A_203, %dma_start3A_204] : memref<2x128x128xbf16, #tpu.memory_space<vmem>> -> memref<1x64x128xbf16, #tpu.memory_space<vmem>>
      %dma_start3A_206 = tpu.memref_squeeze %dma_start3A_205 : memref<1x64x128xbf16, #tpu.memory_space<vmem>> -> memref<64x128xbf16, #tpu.memory_space<vmem>>
      %dma_start3A_207 = arith.constant 0 : i32
      %dma_start3A_208 = tpu.memref_slice %arg14[%add3A_117, %dma_start3A_207] : memref<10240x128xbf16, #tpu.memory_space<vmem_shared>> -> memref<64x128xbf16, #tpu.memory_space<vmem_shared>>
      %dma_start3A_209 = arith.constant 0 : i32
      %dma_start3A_210 = tpu.memref_slice %arg14[%add3A_117, %dma_start3A_209] : memref<10240x128xbf16, #tpu.memory_space<vmem_shared>> -> memref<64x128xbf16, #tpu.memory_space<vmem_shared>>
      %dma_start3A_211 = arith.constant 0 : i32
      %dma_start3A_212 = arith.constant 0 : i32
      %dma_start3A_213 = tpu.memref_slice %arg8[%run_scoped3A_118, %dma_start3A_211, %dma_start3A_212] : memref<2x128x128xbf16, #tpu.memory_space<vmem>> -> memref<1x64x128xbf16, #tpu.memory_space<vmem>>
      %dma_start3A_214 = tpu.memref_squeeze %dma_start3A_213 : memref<1x64x128xbf16, #tpu.memory_space<vmem>> -> memref<64x128xbf16, #tpu.memory_space<vmem>>
      tpu.enqueue_dma source(%dma_start3A_214 : memref<64x128xbf16, #tpu.memory_space<vmem>>) target(%dma_start3A_210 : memref<64x128xbf16, #tpu.memory_space<vmem_shared>>) target_semaphore(%run_scoped3A_202 : memref<!tpu.dma_semaphore, #tpu.memory_space<semaphore_mem>>)
      %dma_wait3A = arith.constant 0 : i32
      %dma_wait3A_215 = arith.constant 0 : i32
      %dma_wait3A_216 = tpu.memref_slice %arg8[%run_scoped3A_118, %dma_wait3A, %dma_wait3A_215] : memref<2x128x128xbf16, #tpu.memory_space<vmem>> -> memref<1x64x128xbf16, #tpu.memory_space<vmem>>
      %dma_wait3A_217 = tpu.memref_squeeze %dma_wait3A_216 : memref<1x64x128xbf16, #tpu.memory_space<vmem>> -> memref<64x128xbf16, #tpu.memory_space<vmem>>
      %dma_wait3A_218 = arith.constant 0 : i32
      %dma_wait3A_219 = tpu.memref_slice %arg14[%add3A_117, %dma_wait3A_218] : memref<10240x128xbf16, #tpu.memory_space<vmem_shared>> -> memref<64x128xbf16, #tpu.memory_space<vmem_shared>>
      %dma_wait3A_220 = arith.constant 0 : i32
      %dma_wait3A_221 = tpu.memref_slice %arg14[%add3A_117, %dma_wait3A_220] : memref<10240x128xbf16, #tpu.memory_space<vmem_shared>> -> memref<64x128xbf16, #tpu.memory_space<vmem_shared>>
      %dma_wait3A_222 = arith.constant 0 : i32
      %dma_wait3A_223 = arith.constant 0 : i32
      %dma_wait3A_224 = tpu.memref_slice %arg8[%run_scoped3A_118, %dma_wait3A_222, %dma_wait3A_223] : memref<2x128x128xbf16, #tpu.memory_space<vmem>> -> memref<1x64x128xbf16, #tpu.memory_space<vmem>>
      %dma_wait3A_225 = tpu.memref_squeeze %dma_wait3A_224 : memref<1x64x128xbf16, #tpu.memory_space<vmem>> -> memref<64x128xbf16, #tpu.memory_space<vmem>>
      tpu.wait_dma2 semaphore(%run_scoped3A_202 : memref<!tpu.dma_semaphore, #tpu.memory_space<semaphore_mem>>) src(%dma_wait3A_225 : memref<64x128xbf16, #tpu.memory_space<vmem>>) dst(%dma_wait3A_221 : memref<64x128xbf16, #tpu.memory_space<vmem_shared>>)
      tpu.yield
    }) : () -> ()
    "tpu.region"() ({
      %run_scoped3A_202 = tpu.sem_alloc : memref<!tpu.dma_semaphore, #tpu.memory_space<semaphore_mem>>
      %dma_start3A_203 = tpu.memref_slice %arg15[%add3A_117] : memref<10240xf32, #tpu.memory_space<vmem_shared>> -> memref<64xf32, #tpu.memory_space<vmem_shared>>
      %dma_start3A_204 = tpu.memref_slice %arg15[%add3A_117] : memref<10240xf32, #tpu.memory_space<vmem_shared>> -> memref<64xf32, #tpu.memory_space<vmem_shared>>
      tpu.enqueue_dma source(%arg10 : memref<64xf32, #tpu.memory_space<vmem>>) target(%dma_start3A_204 : memref<64xf32, #tpu.memory_space<vmem_shared>>) target_semaphore(%run_scoped3A_202 : memref<!tpu.dma_semaphore, #tpu.memory_space<semaphore_mem>>)
      %dma_wait3A = tpu.memref_slice %arg15[%add3A_117] : memref<10240xf32, #tpu.memory_space<vmem_shared>> -> memref<64xf32, #tpu.memory_space<vmem_shared>>
      %dma_wait3A_205 = tpu.memref_slice %arg15[%add3A_117] : memref<10240xf32, #tpu.memory_space<vmem_shared>> -> memref<64xf32, #tpu.memory_space<vmem_shared>>
      tpu.wait_dma2 semaphore(%run_scoped3A_202 : memref<!tpu.dma_semaphore, #tpu.memory_space<semaphore_mem>>) src(%arg10 : memref<64xf32, #tpu.memory_space<vmem>>) dst(%dma_wait3A_205 : memref<64xf32, #tpu.memory_space<vmem_shared>>)
      tpu.yield
    }) : () -> ()
    %mul3A_119 = arith.constant 640 : i32
    %mul3A_120 = arith.muli %arg1, %mul3A_119 : i32
    %add3A_121 = arith.constant 576 : i32
    %add3A_122 = arith.addi %mul3A_120, %add3A_121 : i32
    %run_scoped3A_123 = arith.constant 0 : i32
    "tpu.region"() ({
      %run_scoped3A_202 = tpu.sem_alloc : memref<!tpu.dma_semaphore, #tpu.memory_space<semaphore_mem>>
      %dma_start3A_203 = arith.constant 0 : i32
      %dma_start3A_204 = arith.constant 0 : i32
      %dma_start3A_205 = tpu.memref_slice %arg8[%run_scoped3A_123, %dma_start3A_203, %dma_start3A_204] : memref<2x128x128xbf16, #tpu.memory_space<vmem>> -> memref<1x64x128xbf16, #tpu.memory_space<vmem>>
      %dma_start3A_206 = tpu.memref_squeeze %dma_start3A_205 : memref<1x64x128xbf16, #tpu.memory_space<vmem>> -> memref<64x128xbf16, #tpu.memory_space<vmem>>
      %dma_start3A_207 = arith.constant 0 : i32
      %dma_start3A_208 = tpu.memref_slice %arg14[%add3A_122, %dma_start3A_207] : memref<10240x128xbf16, #tpu.memory_space<vmem_shared>> -> memref<64x128xbf16, #tpu.memory_space<vmem_shared>>
      %dma_start3A_209 = arith.constant 0 : i32
      %dma_start3A_210 = tpu.memref_slice %arg14[%add3A_122, %dma_start3A_209] : memref<10240x128xbf16, #tpu.memory_space<vmem_shared>> -> memref<64x128xbf16, #tpu.memory_space<vmem_shared>>
      %dma_start3A_211 = arith.constant 0 : i32
      %dma_start3A_212 = arith.constant 0 : i32
      %dma_start3A_213 = tpu.memref_slice %arg8[%run_scoped3A_123, %dma_start3A_211, %dma_start3A_212] : memref<2x128x128xbf16, #tpu.memory_space<vmem>> -> memref<1x64x128xbf16, #tpu.memory_space<vmem>>
      %dma_start3A_214 = tpu.memref_squeeze %dma_start3A_213 : memref<1x64x128xbf16, #tpu.memory_space<vmem>> -> memref<64x128xbf16, #tpu.memory_space<vmem>>
      tpu.enqueue_dma source(%dma_start3A_214 : memref<64x128xbf16, #tpu.memory_space<vmem>>) target(%dma_start3A_210 : memref<64x128xbf16, #tpu.memory_space<vmem_shared>>) target_semaphore(%run_scoped3A_202 : memref<!tpu.dma_semaphore, #tpu.memory_space<semaphore_mem>>)
      %dma_wait3A = arith.constant 0 : i32
      %dma_wait3A_215 = arith.constant 0 : i32
      %dma_wait3A_216 = tpu.memref_slice %arg8[%run_scoped3A_123, %dma_wait3A, %dma_wait3A_215] : memref<2x128x128xbf16, #tpu.memory_space<vmem>> -> memref<1x64x128xbf16, #tpu.memory_space<vmem>>
      %dma_wait3A_217 = tpu.memref_squeeze %dma_wait3A_216 : memref<1x64x128xbf16, #tpu.memory_space<vmem>> -> memref<64x128xbf16, #tpu.memory_space<vmem>>
      %dma_wait3A_218 = arith.constant 0 : i32
      %dma_wait3A_219 = tpu.memref_slice %arg14[%add3A_122, %dma_wait3A_218] : memref<10240x128xbf16, #tpu.memory_space<vmem_shared>> -> memref<64x128xbf16, #tpu.memory_space<vmem_shared>>
      %dma_wait3A_220 = arith.constant 0 : i32
      %dma_wait3A_221 = tpu.memref_slice %arg14[%add3A_122, %dma_wait3A_220] : memref<10240x128xbf16, #tpu.memory_space<vmem_shared>> -> memref<64x128xbf16, #tpu.memory_space<vmem_shared>>
      %dma_wait3A_222 = arith.constant 0 : i32
      %dma_wait3A_223 = arith.constant 0 : i32
      %dma_wait3A_224 = tpu.memref_slice %arg8[%run_scoped3A_123, %dma_wait3A_222, %dma_wait3A_223] : memref<2x128x128xbf16, #tpu.memory_space<vmem>> -> memref<1x64x128xbf16, #tpu.memory_space<vmem>>
      %dma_wait3A_225 = tpu.memref_squeeze %dma_wait3A_224 : memref<1x64x128xbf16, #tpu.memory_space<vmem>> -> memref<64x128xbf16, #tpu.memory_space<vmem>>
      tpu.wait_dma2 semaphore(%run_scoped3A_202 : memref<!tpu.dma_semaphore, #tpu.memory_space<semaphore_mem>>) src(%dma_wait3A_225 : memref<64x128xbf16, #tpu.memory_space<vmem>>) dst(%dma_wait3A_221 : memref<64x128xbf16, #tpu.memory_space<vmem_shared>>)
      tpu.yield
    }) : () -> ()
    "tpu.region"() ({
      %run_scoped3A_202 = tpu.sem_alloc : memref<!tpu.dma_semaphore, #tpu.memory_space<semaphore_mem>>
      %dma_start3A_203 = tpu.memref_slice %arg15[%add3A_122] : memref<10240xf32, #tpu.memory_space<vmem_shared>> -> memref<64xf32, #tpu.memory_space<vmem_shared>>
      %dma_start3A_204 = tpu.memref_slice %arg15[%add3A_122] : memref<10240xf32, #tpu.memory_space<vmem_shared>> -> memref<64xf32, #tpu.memory_space<vmem_shared>>
      tpu.enqueue_dma source(%arg10 : memref<64xf32, #tpu.memory_space<vmem>>) target(%dma_start3A_204 : memref<64xf32, #tpu.memory_space<vmem_shared>>) target_semaphore(%run_scoped3A_202 : memref<!tpu.dma_semaphore, #tpu.memory_space<semaphore_mem>>)
      %dma_wait3A = tpu.memref_slice %arg15[%add3A_122] : memref<10240xf32, #tpu.memory_space<vmem_shared>> -> memref<64xf32, #tpu.memory_space<vmem_shared>>
      %dma_wait3A_205 = tpu.memref_slice %arg15[%add3A_122] : memref<10240xf32, #tpu.memory_space<vmem_shared>> -> memref<64xf32, #tpu.memory_space<vmem_shared>>
      tpu.wait_dma2 semaphore(%run_scoped3A_202 : memref<!tpu.dma_semaphore, #tpu.memory_space<semaphore_mem>>) src(%arg10 : memref<64xf32, #tpu.memory_space<vmem>>) dst(%dma_wait3A_205 : memref<64xf32, #tpu.memory_space<vmem_shared>>)
      tpu.yield
    }) : () -> ()
    %eq3A_124 = arith.constant 0 : i32
    %eq3A_125 = arith.cmpi eq, %arg0, %eq3A_124 : i32
    %convert_element_type3A = arith.extui %eq3A_125 : i1 to i32
    %cond3A = arith.constant 0 : i32
    %cond3A_126 = arith.cmpi ne, %convert_element_type3A, %cond3A : i32
    scf.if %cond3A_126 {
      %run_scoped3A_202 = arith.constant 0 : i32
      "tpu.region"() ({
        %run_scoped3A_204 = tpu.sem_alloc : memref<!tpu.dma_semaphore, #tpu.memory_space<semaphore_mem>>
        %dma_start3A_205 = arith.constant 0 : i32
        %dma_start3A_206 = arith.constant 0 : i32
        %dma_start3A_207 = arith.constant 0 : i32
        %dma_start3A_208 = tpu.memref_slice %arg6[%dma_start3A_205, %dma_start3A_206, %dma_start3A_207] : memref<80x1x128xi32, #tpu.memory_space<vmem>> -> memref<78x1x128xi32, #tpu.memory_space<vmem>>
        %dma_start3A_209 = arith.constant 0 : i32
        %dma_start3A_210 = arith.constant 0 : i32
        %dma_start3A_211 = tpu.memref_slice %arg2[%run_scoped3A_202, %select_n3A_16, %dma_start3A_209, %dma_start3A_210] : memref<2x2500x1x128xi32, #tpu.memory_space<hbm>> -> memref<1x78x1x128xi32, #tpu.memory_space<hbm>>
        %dma_start3A_212 = tpu.memref_squeeze %dma_start3A_211 : memref<1x78x1x128xi32, #tpu.memory_space<hbm>> -> memref<78x1x128xi32, #tpu.memory_space<hbm>>
        %dma_start3A_213 = arith.constant 0 : i32
        %dma_start3A_214 = arith.constant 0 : i32
        %dma_start3A_215 = arith.constant 0 : i32
        %dma_start3A_216 = tpu.memref_slice %arg6[%dma_start3A_213, %dma_start3A_214, %dma_start3A_215] : memref<80x1x128xi32, #tpu.memory_space<vmem>> -> memref<78x1x128xi32, #tpu.memory_space<vmem>>
        %dma_start3A_217 = arith.constant 0 : i32
        %dma_start3A_218 = arith.constant 0 : i32
        %dma_start3A_219 = tpu.memref_slice %arg2[%run_scoped3A_202, %select_n3A_16, %dma_start3A_217, %dma_start3A_218] : memref<2x2500x1x128xi32, #tpu.memory_space<hbm>> -> memref<1x78x1x128xi32, #tpu.memory_space<hbm>>
        %dma_start3A_220 = tpu.memref_squeeze %dma_start3A_219 : memref<1x78x1x128xi32, #tpu.memory_space<hbm>> -> memref<78x1x128xi32, #tpu.memory_space<hbm>>
        tpu.enqueue_dma source(%dma_start3A_220 : memref<78x1x128xi32, #tpu.memory_space<hbm>>) target(%dma_start3A_216 : memref<78x1x128xi32, #tpu.memory_space<vmem>>) target_semaphore(%run_scoped3A_204 : memref<!tpu.dma_semaphore, #tpu.memory_space<semaphore_mem>>)
        %dma_wait3A = arith.constant 0 : i32
        %dma_wait3A_221 = arith.constant 0 : i32
        %dma_wait3A_222 = arith.constant 0 : i32
        %dma_wait3A_223 = tpu.memref_slice %arg6[%dma_wait3A, %dma_wait3A_221, %dma_wait3A_222] : memref<80x1x128xi32, #tpu.memory_space<vmem>> -> memref<78x1x128xi32, #tpu.memory_space<vmem>>
        %dma_wait3A_224 = arith.constant 0 : i32
        %dma_wait3A_225 = arith.constant 0 : i32
        %dma_wait3A_226 = tpu.memref_slice %arg2[%run_scoped3A_202, %select_n3A_16, %dma_wait3A_224, %dma_wait3A_225] : memref<2x2500x1x128xi32, #tpu.memory_space<hbm>> -> memref<1x78x1x128xi32, #tpu.memory_space<hbm>>
        %dma_wait3A_227 = tpu.memref_squeeze %dma_wait3A_226 : memref<1x78x1x128xi32, #tpu.memory_space<hbm>> -> memref<78x1x128xi32, #tpu.memory_space<hbm>>
        %dma_wait3A_228 = arith.constant 0 : i32
        %dma_wait3A_229 = arith.constant 0 : i32
        %dma_wait3A_230 = arith.constant 0 : i32
        %dma_wait3A_231 = tpu.memref_slice %arg6[%dma_wait3A_228, %dma_wait3A_229, %dma_wait3A_230] : memref<80x1x128xi32, #tpu.memory_space<vmem>> -> memref<78x1x128xi32, #tpu.memory_space<vmem>>
        %dma_wait3A_232 = arith.constant 0 : i32
        %dma_wait3A_233 = arith.constant 0 : i32
        %dma_wait3A_234 = tpu.memref_slice %arg2[%run_scoped3A_202, %select_n3A_16, %dma_wait3A_232, %dma_wait3A_233] : memref<2x2500x1x128xi32, #tpu.memory_space<hbm>> -> memref<1x78x1x128xi32, #tpu.memory_space<hbm>>
        %dma_wait3A_235 = tpu.memref_squeeze %dma_wait3A_234 : memref<1x78x1x128xi32, #tpu.memory_space<hbm>> -> memref<78x1x128xi32, #tpu.memory_space<hbm>>
        tpu.wait_dma2 semaphore(%run_scoped3A_204 : memref<!tpu.dma_semaphore, #tpu.memory_space<semaphore_mem>>) src(%dma_wait3A_235 : memref<78x1x128xi32, #tpu.memory_space<hbm>>) dst(%dma_wait3A_231 : memref<78x1x128xi32, #tpu.memory_space<vmem>>)
        tpu.yield
      }) : () -> ()
      %run_scoped3A_203 = arith.constant 1 : i32
      "tpu.region"() ({
        %run_scoped3A_204 = tpu.sem_alloc : memref<!tpu.dma_semaphore, #tpu.memory_space<semaphore_mem>>
        %dma_start3A_205 = arith.constant 0 : i32
        %dma_start3A_206 = arith.constant 0 : i32
        %dma_start3A_207 = arith.constant 0 : i32
        %dma_start3A_208 = tpu.memref_slice %arg7[%dma_start3A_205, %dma_start3A_206, %dma_start3A_207] : memref<80x1x128xi32, #tpu.memory_space<vmem>> -> memref<78x1x128xi32, #tpu.memory_space<vmem>>
        %dma_start3A_209 = arith.constant 0 : i32
        %dma_start3A_210 = arith.constant 0 : i32
        %dma_start3A_211 = tpu.memref_slice %arg2[%run_scoped3A_203, %select_n3A_16, %dma_start3A_209, %dma_start3A_210] : memref<2x2500x1x128xi32, #tpu.memory_space<hbm>> -> memref<1x78x1x128xi32, #tpu.memory_space<hbm>>
        %dma_start3A_212 = tpu.memref_squeeze %dma_start3A_211 : memref<1x78x1x128xi32, #tpu.memory_space<hbm>> -> memref<78x1x128xi32, #tpu.memory_space<hbm>>
        %dma_start3A_213 = arith.constant 0 : i32
        %dma_start3A_214 = arith.constant 0 : i32
        %dma_start3A_215 = arith.constant 0 : i32
        %dma_start3A_216 = tpu.memref_slice %arg7[%dma_start3A_213, %dma_start3A_214, %dma_start3A_215] : memref<80x1x128xi32, #tpu.memory_space<vmem>> -> memref<78x1x128xi32, #tpu.memory_space<vmem>>
        %dma_start3A_217 = arith.constant 0 : i32
        %dma_start3A_218 = arith.constant 0 : i32
        %dma_start3A_219 = tpu.memref_slice %arg2[%run_scoped3A_203, %select_n3A_16, %dma_start3A_217, %dma_start3A_218] : memref<2x2500x1x128xi32, #tpu.memory_space<hbm>> -> memref<1x78x1x128xi32, #tpu.memory_space<hbm>>
        %dma_start3A_220 = tpu.memref_squeeze %dma_start3A_219 : memref<1x78x1x128xi32, #tpu.memory_space<hbm>> -> memref<78x1x128xi32, #tpu.memory_space<hbm>>
        tpu.enqueue_dma source(%dma_start3A_220 : memref<78x1x128xi32, #tpu.memory_space<hbm>>) target(%dma_start3A_216 : memref<78x1x128xi32, #tpu.memory_space<vmem>>) target_semaphore(%run_scoped3A_204 : memref<!tpu.dma_semaphore, #tpu.memory_space<semaphore_mem>>)
        %dma_wait3A = arith.constant 0 : i32
        %dma_wait3A_221 = arith.constant 0 : i32
        %dma_wait3A_222 = arith.constant 0 : i32
        %dma_wait3A_223 = tpu.memref_slice %arg7[%dma_wait3A, %dma_wait3A_221, %dma_wait3A_222] : memref<80x1x128xi32, #tpu.memory_space<vmem>> -> memref<78x1x128xi32, #tpu.memory_space<vmem>>
        %dma_wait3A_224 = arith.constant 0 : i32
        %dma_wait3A_225 = arith.constant 0 : i32
        %dma_wait3A_226 = tpu.memref_slice %arg2[%run_scoped3A_203, %select_n3A_16, %dma_wait3A_224, %dma_wait3A_225] : memref<2x2500x1x128xi32, #tpu.memory_space<hbm>> -> memref<1x78x1x128xi32, #tpu.memory_space<hbm>>
        %dma_wait3A_227 = tpu.memref_squeeze %dma_wait3A_226 : memref<1x78x1x128xi32, #tpu.memory_space<hbm>> -> memref<78x1x128xi32, #tpu.memory_space<hbm>>
        %dma_wait3A_228 = arith.constant 0 : i32
        %dma_wait3A_229 = arith.constant 0 : i32
        %dma_wait3A_230 = arith.constant 0 : i32
        %dma_wait3A_231 = tpu.memref_slice %arg7[%dma_wait3A_228, %dma_wait3A_229, %dma_wait3A_230] : memref<80x1x128xi32, #tpu.memory_space<vmem>> -> memref<78x1x128xi32, #tpu.memory_space<vmem>>
        %dma_wait3A_232 = arith.constant 0 : i32
        %dma_wait3A_233 = arith.constant 0 : i32
        %dma_wait3A_234 = tpu.memref_slice %arg2[%run_scoped3A_203, %select_n3A_16, %dma_wait3A_232, %dma_wait3A_233] : memref<2x2500x1x128xi32, #tpu.memory_space<hbm>> -> memref<1x78x1x128xi32, #tpu.memory_space<hbm>>
        %dma_wait3A_235 = tpu.memref_squeeze %dma_wait3A_234 : memref<1x78x1x128xi32, #tpu.memory_space<hbm>> -> memref<78x1x128xi32, #tpu.memory_space<hbm>>
        tpu.wait_dma2 semaphore(%run_scoped3A_204 : memref<!tpu.dma_semaphore, #tpu.memory_space<semaphore_mem>>) src(%dma_wait3A_235 : memref<78x1x128xi32, #tpu.memory_space<hbm>>) dst(%dma_wait3A_231 : memref<78x1x128xi32, #tpu.memory_space<vmem>>)
        tpu.yield
      }) : () -> ()
    } else {
    }
    %eq3A_127 = arith.constant 1 : i32
    %eq3A_128 = arith.cmpi eq, %arg0, %eq3A_127 : i32
    %convert_element_type3A_129 = arith.extui %eq3A_128 : i1 to i32
    %cond3A_130 = arith.constant 0 : i32
    %cond3A_131 = arith.cmpi ne, %convert_element_type3A_129, %cond3A_130 : i32
    scf.if %cond3A_131 {
      %run_scoped3A_202 = arith.constant 0 : i32
      "tpu.region"() ({
        %run_scoped3A_204 = tpu.sem_alloc : memref<!tpu.dma_semaphore, #tpu.memory_space<semaphore_mem>>
        %dma_start3A_205 = arith.constant 0 : i32
        %dma_start3A_206 = arith.constant 0 : i32
        %dma_start3A_207 = arith.constant 0 : i32
        %dma_start3A_208 = tpu.memref_slice %arg6[%dma_start3A_205, %dma_start3A_206, %dma_start3A_207] : memref<80x1x128xi32, #tpu.memory_space<vmem>> -> memref<80x1x128xi32, #tpu.memory_space<vmem>>
        %dma_start3A_209 = arith.constant 0 : i32
        %dma_start3A_210 = arith.constant 0 : i32
        %dma_start3A_211 = tpu.memref_slice %arg2[%run_scoped3A_202, %select_n3A_16, %dma_start3A_209, %dma_start3A_210] : memref<2x2500x1x128xi32, #tpu.memory_space<hbm>> -> memref<1x80x1x128xi32, #tpu.memory_space<hbm>>
        %dma_start3A_212 = tpu.memref_squeeze %dma_start3A_211 : memref<1x80x1x128xi32, #tpu.memory_space<hbm>> -> memref<80x1x128xi32, #tpu.memory_space<hbm>>
        %dma_start3A_213 = arith.constant 0 : i32
        %dma_start3A_214 = arith.constant 0 : i32
        %dma_start3A_215 = arith.constant 0 : i32
        %dma_start3A_216 = tpu.memref_slice %arg6[%dma_start3A_213, %dma_start3A_214, %dma_start3A_215] : memref<80x1x128xi32, #tpu.memory_space<vmem>> -> memref<80x1x128xi32, #tpu.memory_space<vmem>>
        %dma_start3A_217 = arith.constant 0 : i32
        %dma_start3A_218 = arith.constant 0 : i32
        %dma_start3A_219 = tpu.memref_slice %arg2[%run_scoped3A_202, %select_n3A_16, %dma_start3A_217, %dma_start3A_218] : memref<2x2500x1x128xi32, #tpu.memory_space<hbm>> -> memref<1x80x1x128xi32, #tpu.memory_space<hbm>>
        %dma_start3A_220 = tpu.memref_squeeze %dma_start3A_219 : memref<1x80x1x128xi32, #tpu.memory_space<hbm>> -> memref<80x1x128xi32, #tpu.memory_space<hbm>>
        tpu.enqueue_dma source(%dma_start3A_220 : memref<80x1x128xi32, #tpu.memory_space<hbm>>) target(%dma_start3A_216 : memref<80x1x128xi32, #tpu.memory_space<vmem>>) target_semaphore(%run_scoped3A_204 : memref<!tpu.dma_semaphore, #tpu.memory_space<semaphore_mem>>)
        %dma_wait3A = arith.constant 0 : i32
        %dma_wait3A_221 = arith.constant 0 : i32
        %dma_wait3A_222 = arith.constant 0 : i32
        %dma_wait3A_223 = tpu.memref_slice %arg6[%dma_wait3A, %dma_wait3A_221, %dma_wait3A_222] : memref<80x1x128xi32, #tpu.memory_space<vmem>> -> memref<80x1x128xi32, #tpu.memory_space<vmem>>
        %dma_wait3A_224 = arith.constant 0 : i32
        %dma_wait3A_225 = arith.constant 0 : i32
        %dma_wait3A_226 = tpu.memref_slice %arg2[%run_scoped3A_202, %select_n3A_16, %dma_wait3A_224, %dma_wait3A_225] : memref<2x2500x1x128xi32, #tpu.memory_space<hbm>> -> memref<1x80x1x128xi32, #tpu.memory_space<hbm>>
        %dma_wait3A_227 = tpu.memref_squeeze %dma_wait3A_226 : memref<1x80x1x128xi32, #tpu.memory_space<hbm>> -> memref<80x1x128xi32, #tpu.memory_space<hbm>>
        %dma_wait3A_228 = arith.constant 0 : i32
        %dma_wait3A_229 = arith.constant 0 : i32
        %dma_wait3A_230 = arith.constant 0 : i32
        %dma_wait3A_231 = tpu.memref_slice %arg6[%dma_wait3A_228, %dma_wait3A_229, %dma_wait3A_230] : memref<80x1x128xi32, #tpu.memory_space<vmem>> -> memref<80x1x128xi32, #tpu.memory_space<vmem>>
        %dma_wait3A_232 = arith.constant 0 : i32
        %dma_wait3A_233 = arith.constant 0 : i32
        %dma_wait3A_234 = tpu.memref_slice %arg2[%run_scoped3A_202, %select_n3A_16, %dma_wait3A_232, %dma_wait3A_233] : memref<2x2500x1x128xi32, #tpu.memory_space<hbm>> -> memref<1x80x1x128xi32, #tpu.memory_space<hbm>>
        %dma_wait3A_235 = tpu.memref_squeeze %dma_wait3A_234 : memref<1x80x1x128xi32, #tpu.memory_space<hbm>> -> memref<80x1x128xi32, #tpu.memory_space<hbm>>
        tpu.wait_dma2 semaphore(%run_scoped3A_204 : memref<!tpu.dma_semaphore, #tpu.memory_space<semaphore_mem>>) src(%dma_wait3A_235 : memref<80x1x128xi32, #tpu.memory_space<hbm>>) dst(%dma_wait3A_231 : memref<80x1x128xi32, #tpu.memory_space<vmem>>)
        tpu.yield
      }) : () -> ()
      %run_scoped3A_203 = arith.constant 1 : i32
      "tpu.region"() ({
        %run_scoped3A_204 = tpu.sem_alloc : memref<!tpu.dma_semaphore, #tpu.memory_space<semaphore_mem>>
        %dma_start3A_205 = arith.constant 0 : i32
        %dma_start3A_206 = arith.constant 0 : i32
        %dma_start3A_207 = arith.constant 0 : i32
        %dma_start3A_208 = tpu.memref_slice %arg7[%dma_start3A_205, %dma_start3A_206, %dma_start3A_207] : memref<80x1x128xi32, #tpu.memory_space<vmem>> -> memref<80x1x128xi32, #tpu.memory_space<vmem>>
        %dma_start3A_209 = arith.constant 0 : i32
        %dma_start3A_210 = arith.constant 0 : i32
        %dma_start3A_211 = tpu.memref_slice %arg2[%run_scoped3A_203, %select_n3A_16, %dma_start3A_209, %dma_start3A_210] : memref<2x2500x1x128xi32, #tpu.memory_space<hbm>> -> memref<1x80x1x128xi32, #tpu.memory_space<hbm>>
        %dma_start3A_212 = tpu.memref_squeeze %dma_start3A_211 : memref<1x80x1x128xi32, #tpu.memory_space<hbm>> -> memref<80x1x128xi32, #tpu.memory_space<hbm>>
        %dma_start3A_213 = arith.constant 0 : i32
        %dma_start3A_214 = arith.constant 0 : i32
        %dma_start3A_215 = arith.constant 0 : i32
        %dma_start3A_216 = tpu.memref_slice %arg7[%dma_start3A_213, %dma_start3A_214, %dma_start3A_215] : memref<80x1x128xi32, #tpu.memory_space<vmem>> -> memref<80x1x128xi32, #tpu.memory_space<vmem>>
        %dma_start3A_217 = arith.constant 0 : i32
        %dma_start3A_218 = arith.constant 0 : i32
        %dma_start3A_219 = tpu.memref_slice %arg2[%run_scoped3A_203, %select_n3A_16, %dma_start3A_217, %dma_start3A_218] : memref<2x2500x1x128xi32, #tpu.memory_space<hbm>> -> memref<1x80x1x128xi32, #tpu.memory_space<hbm>>
        %dma_start3A_220 = tpu.memref_squeeze %dma_start3A_219 : memref<1x80x1x128xi32, #tpu.memory_space<hbm>> -> memref<80x1x128xi32, #tpu.memory_space<hbm>>
        tpu.enqueue_dma source(%dma_start3A_220 : memref<80x1x128xi32, #tpu.memory_space<hbm>>) target(%dma_start3A_216 : memref<80x1x128xi32, #tpu.memory_space<vmem>>) target_semaphore(%run_scoped3A_204 : memref<!tpu.dma_semaphore, #tpu.memory_space<semaphore_mem>>)
        %dma_wait3A = arith.constant 0 : i32
        %dma_wait3A_221 = arith.constant 0 : i32
        %dma_wait3A_222 = arith.constant 0 : i32
        %dma_wait3A_223 = tpu.memref_slice %arg7[%dma_wait3A, %dma_wait3A_221, %dma_wait3A_222] : memref<80x1x128xi32, #tpu.memory_space<vmem>> -> memref<80x1x128xi32, #tpu.memory_space<vmem>>
        %dma_wait3A_224 = arith.constant 0 : i32
        %dma_wait3A_225 = arith.constant 0 : i32
        %dma_wait3A_226 = tpu.memref_slice %arg2[%run_scoped3A_203, %select_n3A_16, %dma_wait3A_224, %dma_wait3A_225] : memref<2x2500x1x128xi32, #tpu.memory_space<hbm>> -> memref<1x80x1x128xi32, #tpu.memory_space<hbm>>
        %dma_wait3A_227 = tpu.memref_squeeze %dma_wait3A_226 : memref<1x80x1x128xi32, #tpu.memory_space<hbm>> -> memref<80x1x128xi32, #tpu.memory_space<hbm>>
        %dma_wait3A_228 = arith.constant 0 : i32
        %dma_wait3A_229 = arith.constant 0 : i32
        %dma_wait3A_230 = arith.constant 0 : i32
        %dma_wait3A_231 = tpu.memref_slice %arg7[%dma_wait3A_228, %dma_wait3A_229, %dma_wait3A_230] : memref<80x1x128xi32, #tpu.memory_space<vmem>> -> memref<80x1x128xi32, #tpu.memory_space<vmem>>
        %dma_wait3A_232 = arith.constant 0 : i32
        %dma_wait3A_233 = arith.constant 0 : i32
        %dma_wait3A_234 = tpu.memref_slice %arg2[%run_scoped3A_203, %select_n3A_16, %dma_wait3A_232, %dma_wait3A_233] : memref<2x2500x1x128xi32, #tpu.memory_space<hbm>> -> memref<1x80x1x128xi32, #tpu.memory_space<hbm>>
        %dma_wait3A_235 = tpu.memref_squeeze %dma_wait3A_234 : memref<1x80x1x128xi32, #tpu.memory_space<hbm>> -> memref<80x1x128xi32, #tpu.memory_space<hbm>>
        tpu.wait_dma2 semaphore(%run_scoped3A_204 : memref<!tpu.dma_semaphore, #tpu.memory_space<semaphore_mem>>) src(%dma_wait3A_235 : memref<80x1x128xi32, #tpu.memory_space<hbm>>) dst(%dma_wait3A_231 : memref<80x1x128xi32, #tpu.memory_space<vmem>>)
        tpu.yield
      }) : () -> ()
    } else {
    }
    %barrier3A = arith.constant 0 : index
    tpu.barrier barrier_id(%barrier3A)
    %dma_start3A = arith.constant 0 : i32
    %dma_start3A_132 = arith.constant 0 : i32
    %dma_start3A_133 = arith.constant 0 : i32
    %dma_start3A_134 = arith.constant 0 : i32
    %dma_start3A_135 = arith.constant 0 : i32
    %dma_start3A_136 = tpu.memref_slice %arg8[%dma_start3A_133, %dma_start3A_134, %dma_start3A_135] : memref<2x128x128xbf16, #tpu.memory_space<vmem>> -> memref<1x128x128xbf16, #tpu.memory_space<vmem>>
    %dma_start3A_137 = tpu.memref_squeeze %dma_start3A_136 : memref<1x128x128xbf16, #tpu.memory_space<vmem>> -> memref<128x128xbf16, #tpu.memory_space<vmem>>
    %dma_start3A_138 = arith.constant 0 : i32
    %dma_start3A_139 = tpu.memref_slice %arg6[%dma_start3A, %dma_start3A_132, %dma_start3A_138] : memref<80x1x128xi32, #tpu.memory_space<vmem>> -> memref<1x1x128xi32, #tpu.memory_space<vmem>>
    %dma_start3A_140 = tpu.memref_squeeze %dma_start3A_139 : memref<1x1x128xi32, #tpu.memory_space<vmem>> -> memref<128xi32, #tpu.memory_space<vmem>>
    %dma_start3A_141 = arith.constant 0 : i32
    %dma_start3A_142 = arith.constant 0 : i32
    %dma_start3A_143 = tpu.memref_slice %arg3[%dma_start3A_141, %dma_start3A_142] : memref<10000x128xbf16, #tpu.memory_space<hbm>> -> memref<10000x128xbf16, #tpu.memory_space<hbm>>
    tpu.enqueue_indirect_dma source(%dma_start3A_143 : memref<10000x128xbf16, #tpu.memory_space<hbm>>) target(%dma_start3A_137 : memref<128x128xbf16, #tpu.memory_space<vmem>>) offsets(%dma_start3A_140 : memref<128xi32, #tpu.memory_space<vmem>>) semaphore(%arg11 : memref<!tpu.dma_semaphore, #tpu.memory_space<semaphore_mem>>)
    %dma_start3A_144 = arith.constant 1 : i32
    %dma_start3A_145 = arith.constant 0 : i32
    %dma_start3A_146 = arith.constant 1 : i32
    %dma_start3A_147 = arith.constant 0 : i32
    %dma_start3A_148 = arith.constant 0 : i32
    %dma_start3A_149 = tpu.memref_slice %arg8[%dma_start3A_146, %dma_start3A_147, %dma_start3A_148] : memref<2x128x128xbf16, #tpu.memory_space<vmem>> -> memref<1x128x128xbf16, #tpu.memory_space<vmem>>
    %dma_start3A_150 = tpu.memref_squeeze %dma_start3A_149 : memref<1x128x128xbf16, #tpu.memory_space<vmem>> -> memref<128x128xbf16, #tpu.memory_space<vmem>>
    %dma_start3A_151 = arith.constant 0 : i32
    %dma_start3A_152 = tpu.memref_slice %arg6[%dma_start3A_144, %dma_start3A_145, %dma_start3A_151] : memref<80x1x128xi32, #tpu.memory_space<vmem>> -> memref<1x1x128xi32, #tpu.memory_space<vmem>>
    %dma_start3A_153 = tpu.memref_squeeze %dma_start3A_152 : memref<1x1x128xi32, #tpu.memory_space<vmem>> -> memref<128xi32, #tpu.memory_space<vmem>>
    %dma_start3A_154 = arith.constant 0 : i32
    %dma_start3A_155 = arith.constant 0 : i32
    %dma_start3A_156 = tpu.memref_slice %arg3[%dma_start3A_154, %dma_start3A_155] : memref<10000x128xbf16, #tpu.memory_space<hbm>> -> memref<10000x128xbf16, #tpu.memory_space<hbm>>
    tpu.enqueue_indirect_dma source(%dma_start3A_156 : memref<10000x128xbf16, #tpu.memory_space<hbm>>) target(%dma_start3A_150 : memref<128x128xbf16, #tpu.memory_space<vmem>>) offsets(%dma_start3A_153 : memref<128xi32, #tpu.memory_space<vmem>>) semaphore(%arg11 : memref<!tpu.dma_semaphore, #tpu.memory_space<semaphore_mem>>)
    %jit3A_157 = arith.constant 2 : i32
    %div3A = arith.divsi %select_n3A_4, %jit3A_157 : i32
    %sign3A = arith.constant 0 : i32
    %sign3A_158 = arith.cmpi sgt, %select_n3A_4, %sign3A : i32
    %sign3A_159 = arith.extui %sign3A_158 : i1 to i32
    %sign3A_160 = arith.constant 0 : i32
    %sign3A_161 = arith.cmpi slt, %select_n3A_4, %sign3A_160 : i32
    %sign3A_162 = arith.extui %sign3A_161 : i1 to i32
    %sign3A_163 = arith.subi %sign3A_159, %sign3A_162 : i32
    %sign3A_164 = arith.constant 0 : i32
    %sign3A_165 = arith.cmpi sgt, %jit3A_157, %sign3A_164 : i32
    %sign3A_166 = arith.extui %sign3A_165 : i1 to i32
    %sign3A_167 = arith.constant 0 : i32
    %sign3A_168 = arith.cmpi slt, %jit3A_157, %sign3A_167 : i32
    %sign3A_169 = arith.extui %sign3A_168 : i1 to i32
    %sign3A_170 = arith.subi %sign3A_166, %sign3A_169 : i32
    %ne3A = arith.cmpi ne, %sign3A_163, %sign3A_170 : i32
    %rem3A = arith.remsi %select_n3A_4, %jit3A_157 : i32
    %ne3A_171 = arith.constant 0 : i32
    %ne3A_172 = arith.cmpi ne, %rem3A, %ne3A_171 : i32
    %and3A = arith.andi %ne3A, %ne3A_172 : i1
    %sub3A_173 = arith.constant 1 : i32
    %sub3A_174 = arith.subi %div3A, %sub3A_173 : i32
    %select_n3A_175 = arith.select %and3A, %sub3A_174, %div3A : i32
    %while3A = arith.constant 0 : i32
    %while3A_176 = arith.constant 0 : i32
    %while3A_177 = arith.subi %select_n3A_175, %while3A : i32
    %while3A_178 = arith.addi %while3A, %while3A_177 : i32
    %while3A_179 = arith.constant 1 : i32
    %while3A_180 = arith.divsi %while3A_177, %while3A_179 : i32
    %while3A_181 = arith.muli %while3A_180, %while3A_179 : i32
    %while3A_182 = arith.addi %while3A, %while3A_181 : i32
    %while3A_183 = arith.constant 1 : i32
    %while3A_184 = scf.for %while3A_202 = %while3A to %while3A_182 step %while3A_183 iter_args(%while3A_203 = %while3A_176) -> (i32)  : i32 {
      %mul3A_204 = arith.constant 2 : i32
      %mul3A_205 = arith.muli %mul3A_204, %while3A_202 : i32
      %add3A_206 = arith.constant 1 : i32
      %add3A_207 = arith.addi %mul3A_205, %add3A_206 : i32
      %dma_wait3A = arith.constant 0 : i32
      %dma_wait3A_208 = arith.constant 0 : i32
      %dma_wait3A_209 = arith.constant 0 : i32
      %dma_wait3A_210 = arith.constant 0 : i32
      %dma_wait3A_211 = tpu.memref_slice %arg8[%dma_wait3A_208, %dma_wait3A_209, %dma_wait3A_210] : memref<2x128x128xbf16, #tpu.memory_space<vmem>> -> memref<1x128x128xbf16, #tpu.memory_space<vmem>>
      %dma_wait3A_212 = tpu.memref_squeeze %dma_wait3A_211 : memref<1x128x128xbf16, #tpu.memory_space<vmem>> -> memref<128x128xbf16, #tpu.memory_space<vmem>>
      %dma_wait3A_213 = arith.constant 0 : i32
      %dma_wait3A_214 = tpu.memref_slice %arg6[%mul3A_205, %dma_wait3A, %dma_wait3A_213] : memref<80x1x128xi32, #tpu.memory_space<vmem>> -> memref<1x1x128xi32, #tpu.memory_space<vmem>>
      %dma_wait3A_215 = tpu.memref_squeeze %dma_wait3A_214 : memref<1x1x128xi32, #tpu.memory_space<vmem>> -> memref<128xi32, #tpu.memory_space<vmem>>
      %dma_wait3A_216 = arith.constant 0 : i32
      %dma_wait3A_217 = arith.constant 0 : i32
      %dma_wait3A_218 = tpu.memref_slice %arg3[%dma_wait3A_216, %dma_wait3A_217] : memref<10000x128xbf16, #tpu.memory_space<hbm>> -> memref<10000x128xbf16, #tpu.memory_space<hbm>>
      tpu.wait_indirect_dma semaphore(%arg11 : memref<!tpu.dma_semaphore, #tpu.memory_space<semaphore_mem>>) src(%dma_wait3A_218 : memref<10000x128xbf16, #tpu.memory_space<hbm>>) dst(%dma_wait3A_212 : memref<128x128xbf16, #tpu.memory_space<vmem>>)
      %dma_start3A_219 = arith.constant 0 : i32
      %dma_start3A_220 = arith.constant 0 : i32
      %dma_start3A_221 = arith.constant 0 : i32
      %dma_start3A_222 = arith.constant 0 : i32
      %dma_start3A_223 = tpu.memref_slice %arg8[%dma_start3A_219, %dma_start3A_221, %dma_start3A_222] : memref<2x128x128xbf16, #tpu.memory_space<vmem>> -> memref<1x128x128xbf16, #tpu.memory_space<vmem>>
      %dma_start3A_224 = tpu.memref_squeeze %dma_start3A_223 : memref<1x128x128xbf16, #tpu.memory_space<vmem>> -> memref<128x128xbf16, #tpu.memory_space<vmem>>
      %dma_start3A_225 = arith.constant 0 : i32
      %dma_start3A_226 = tpu.memref_slice %arg7[%mul3A_205, %dma_start3A_220, %dma_start3A_225] : memref<80x1x128xi32, #tpu.memory_space<vmem>> -> memref<1x1x128xi32, #tpu.memory_space<vmem>>
      %dma_start3A_227 = tpu.memref_squeeze %dma_start3A_226 : memref<1x1x128xi32, #tpu.memory_space<vmem>> -> memref<128xi32, #tpu.memory_space<vmem>>
      %dma_start3A_228 = arith.constant 0 : i32
      %dma_start3A_229 = arith.constant 0 : i32
      %dma_start3A_230 = tpu.memref_slice %arg14[%dma_start3A_228, %dma_start3A_229] : memref<10240x128xbf16, #tpu.memory_space<vmem_shared>> -> memref<10240x128xbf16, #tpu.memory_space<vmem_shared>>
      tpu.enqueue_indirect_dma source(%dma_start3A_224 : memref<128x128xbf16, #tpu.memory_space<vmem>>) target(%dma_start3A_230 : memref<10240x128xbf16, #tpu.memory_space<vmem_shared>>) offsets(%dma_start3A_227 : memref<128xi32, #tpu.memory_space<vmem>>) semaphore(%arg12 : memref<!tpu.dma_semaphore, #tpu.memory_space<semaphore_mem>>) {add = true}
      %dma_start3A_231 = arith.constant 0 : i32
      %dma_start3A_232 = arith.constant 0 : i32
      %dma_start3A_233 = tpu.memref_slice %arg7[%mul3A_205, %dma_start3A_231, %dma_start3A_232] : memref<80x1x128xi32, #tpu.memory_space<vmem>> -> memref<1x1x128xi32, #tpu.memory_space<vmem>>
      %dma_start3A_234 = tpu.memref_squeeze %dma_start3A_233 : memref<1x1x128xi32, #tpu.memory_space<vmem>> -> memref<128xi32, #tpu.memory_space<vmem>>
      %dma_start3A_235 = arith.constant 0 : i32
      %dma_start3A_236 = tpu.memref_slice %arg15[%dma_start3A_235] : memref<10240xf32, #tpu.memory_space<vmem_shared>> -> memref<10240xf32, #tpu.memory_space<vmem_shared>>
      tpu.enqueue_indirect_dma source(%arg9 : memref<128xf32, #tpu.memory_space<vmem>>) target(%dma_start3A_236 : memref<10240xf32, #tpu.memory_space<vmem_shared>>) offsets(%dma_start3A_234 : memref<128xi32, #tpu.memory_space<vmem>>) semaphore(%arg13 : memref<!tpu.dma_semaphore, #tpu.memory_space<semaphore_mem>>) {add = true}
      %dma_wait3A_237 = arith.constant 0 : i32
      %dma_wait3A_238 = arith.constant 1 : i32
      %dma_wait3A_239 = arith.constant 0 : i32
      %dma_wait3A_240 = arith.constant 0 : i32
      %dma_wait3A_241 = tpu.memref_slice %arg8[%dma_wait3A_238, %dma_wait3A_239, %dma_wait3A_240] : memref<2x128x128xbf16, #tpu.memory_space<vmem>> -> memref<1x128x128xbf16, #tpu.memory_space<vmem>>
      %dma_wait3A_242 = tpu.memref_squeeze %dma_wait3A_241 : memref<1x128x128xbf16, #tpu.memory_space<vmem>> -> memref<128x128xbf16, #tpu.memory_space<vmem>>
      %dma_wait3A_243 = arith.constant 0 : i32
      %dma_wait3A_244 = tpu.memref_slice %arg6[%add3A_207, %dma_wait3A_237, %dma_wait3A_243] : memref<80x1x128xi32, #tpu.memory_space<vmem>> -> memref<1x1x128xi32, #tpu.memory_space<vmem>>
      %dma_wait3A_245 = tpu.memref_squeeze %dma_wait3A_244 : memref<1x1x128xi32, #tpu.memory_space<vmem>> -> memref<128xi32, #tpu.memory_space<vmem>>
      %dma_wait3A_246 = arith.constant 0 : i32
      %dma_wait3A_247 = arith.constant 0 : i32
      %dma_wait3A_248 = tpu.memref_slice %arg3[%dma_wait3A_246, %dma_wait3A_247] : memref<10000x128xbf16, #tpu.memory_space<hbm>> -> memref<10000x128xbf16, #tpu.memory_space<hbm>>
      tpu.wait_indirect_dma semaphore(%arg11 : memref<!tpu.dma_semaphore, #tpu.memory_space<semaphore_mem>>) src(%dma_wait3A_248 : memref<10000x128xbf16, #tpu.memory_space<hbm>>) dst(%dma_wait3A_242 : memref<128x128xbf16, #tpu.memory_space<vmem>>)
      %dma_start3A_249 = arith.constant 1 : i32
      %dma_start3A_250 = arith.constant 0 : i32
      %dma_start3A_251 = arith.constant 0 : i32
      %dma_start3A_252 = arith.constant 0 : i32
      %dma_start3A_253 = tpu.memref_slice %arg8[%dma_start3A_249, %dma_start3A_251, %dma_start3A_252] : memref<2x128x128xbf16, #tpu.memory_space<vmem>> -> memref<1x128x128xbf16, #tpu.memory_space<vmem>>
      %dma_start3A_254 = tpu.memref_squeeze %dma_start3A_253 : memref<1x128x128xbf16, #tpu.memory_space<vmem>> -> memref<128x128xbf16, #tpu.memory_space<vmem>>
      %dma_start3A_255 = arith.constant 0 : i32
      %dma_start3A_256 = tpu.memref_slice %arg7[%add3A_207, %dma_start3A_250, %dma_start3A_255] : memref<80x1x128xi32, #tpu.memory_space<vmem>> -> memref<1x1x128xi32, #tpu.memory_space<vmem>>
      %dma_start3A_257 = tpu.memref_squeeze %dma_start3A_256 : memref<1x1x128xi32, #tpu.memory_space<vmem>> -> memref<128xi32, #tpu.memory_space<vmem>>
      %dma_start3A_258 = arith.constant 0 : i32
      %dma_start3A_259 = arith.constant 0 : i32
      %dma_start3A_260 = tpu.memref_slice %arg14[%dma_start3A_258, %dma_start3A_259] : memref<10240x128xbf16, #tpu.memory_space<vmem_shared>> -> memref<10240x128xbf16, #tpu.memory_space<vmem_shared>>
      tpu.enqueue_indirect_dma source(%dma_start3A_254 : memref<128x128xbf16, #tpu.memory_space<vmem>>) target(%dma_start3A_260 : memref<10240x128xbf16, #tpu.memory_space<vmem_shared>>) offsets(%dma_start3A_257 : memref<128xi32, #tpu.memory_space<vmem>>) semaphore(%arg12 : memref<!tpu.dma_semaphore, #tpu.memory_space<semaphore_mem>>) {add = true}
      %dma_start3A_261 = arith.constant 0 : i32
      %dma_start3A_262 = arith.constant 0 : i32
      %dma_start3A_263 = tpu.memref_slice %arg7[%add3A_207, %dma_start3A_261, %dma_start3A_262] : memref<80x1x128xi32, #tpu.memory_space<vmem>> -> memref<1x1x128xi32, #tpu.memory_space<vmem>>
      %dma_start3A_264 = tpu.memref_squeeze %dma_start3A_263 : memref<1x1x128xi32, #tpu.memory_space<vmem>> -> memref<128xi32, #tpu.memory_space<vmem>>
      %dma_start3A_265 = arith.constant 0 : i32
      %dma_start3A_266 = tpu.memref_slice %arg15[%dma_start3A_265] : memref<10240xf32, #tpu.memory_space<vmem_shared>> -> memref<10240xf32, #tpu.memory_space<vmem_shared>>
      tpu.enqueue_indirect_dma source(%arg9 : memref<128xf32, #tpu.memory_space<vmem>>) target(%dma_start3A_266 : memref<10240xf32, #tpu.memory_space<vmem_shared>>) offsets(%dma_start3A_264 : memref<128xi32, #tpu.memory_space<vmem>>) semaphore(%arg13 : memref<!tpu.dma_semaphore, #tpu.memory_space<semaphore_mem>>) {add = true}
      %dma_wait3A_267 = arith.constant 0 : i32
      %dma_wait3A_268 = arith.constant 0 : i32
      %dma_wait3A_269 = arith.constant 0 : i32
      %dma_wait3A_270 = arith.constant 0 : i32
      %dma_wait3A_271 = tpu.memref_slice %arg8[%dma_wait3A_267, %dma_wait3A_269, %dma_wait3A_270] : memref<2x128x128xbf16, #tpu.memory_space<vmem>> -> memref<1x128x128xbf16, #tpu.memory_space<vmem>>
      %dma_wait3A_272 = tpu.memref_squeeze %dma_wait3A_271 : memref<1x128x128xbf16, #tpu.memory_space<vmem>> -> memref<128x128xbf16, #tpu.memory_space<vmem>>
      %dma_wait3A_273 = arith.constant 0 : i32
      %dma_wait3A_274 = tpu.memref_slice %arg7[%mul3A_205, %dma_wait3A_268, %dma_wait3A_273] : memref<80x1x128xi32, #tpu.memory_space<vmem>> -> memref<1x1x128xi32, #tpu.memory_space<vmem>>
      %dma_wait3A_275 = tpu.memref_squeeze %dma_wait3A_274 : memref<1x1x128xi32, #tpu.memory_space<vmem>> -> memref<128xi32, #tpu.memory_space<vmem>>
      %dma_wait3A_276 = arith.constant 0 : i32
      %dma_wait3A_277 = arith.constant 0 : i32
      %dma_wait3A_278 = tpu.memref_slice %arg14[%dma_wait3A_276, %dma_wait3A_277] : memref<10240x128xbf16, #tpu.memory_space<vmem_shared>> -> memref<10240x128xbf16, #tpu.memory_space<vmem_shared>>
      tpu.wait_indirect_dma semaphore(%arg12 : memref<!tpu.dma_semaphore, #tpu.memory_space<semaphore_mem>>) src(%dma_wait3A_272 : memref<128x128xbf16, #tpu.memory_space<vmem>>) dst(%dma_wait3A_278 : memref<10240x128xbf16, #tpu.memory_space<vmem_shared>>)
      %jit3A_279 = arith.constant 2 : i32
      %div3A_280 = arith.divsi %select_n3A_4, %jit3A_279 : i32
      %sign3A_281 = arith.constant 0 : i32
      %sign3A_282 = arith.cmpi sgt, %select_n3A_4, %sign3A_281 : i32
      %sign3A_283 = arith.extui %sign3A_282 : i1 to i32
      %sign3A_284 = arith.constant 0 : i32
      %sign3A_285 = arith.cmpi slt, %select_n3A_4, %sign3A_284 : i32
      %sign3A_286 = arith.extui %sign3A_285 : i1 to i32
      %sign3A_287 = arith.subi %sign3A_283, %sign3A_286 : i32
      %sign3A_288 = arith.constant 0 : i32
      %sign3A_289 = arith.cmpi sgt, %jit3A_279, %sign3A_288 : i32
      %sign3A_290 = arith.extui %sign3A_289 : i1 to i32
      %sign3A_291 = arith.constant 0 : i32
      %sign3A_292 = arith.cmpi slt, %jit3A_279, %sign3A_291 : i32
      %sign3A_293 = arith.extui %sign3A_292 : i1 to i32
      %sign3A_294 = arith.subi %sign3A_290, %sign3A_293 : i32
      %ne3A_295 = arith.cmpi ne, %sign3A_287, %sign3A_294 : i32
      %rem3A_296 = arith.remsi %select_n3A_4, %jit3A_279 : i32
      %ne3A_297 = arith.constant 0 : i32
      %ne3A_298 = arith.cmpi ne, %rem3A_296, %ne3A_297 : i32
      %and3A_299 = arith.andi %ne3A_295, %ne3A_298 : i1
      %sub3A_300 = arith.constant 1 : i32
      %sub3A_301 = arith.subi %div3A_280, %sub3A_300 : i32
      %select_n3A_302 = arith.select %and3A_299, %sub3A_301, %div3A_280 : i32
      %sub3A_303 = arith.constant 1 : i32
      %sub3A_304 = arith.subi %select_n3A_302, %sub3A_303 : i32
      %lt3A = arith.cmpi slt, %while3A_202, %sub3A_304 : i32
      %convert_element_type3A_305 = arith.extui %lt3A : i1 to i32
      %cond3A_306 = arith.constant 0 : i32
      %cond3A_307 = arith.cmpi ne, %convert_element_type3A_305, %cond3A_306 : i32
      scf.if %cond3A_307 {
        %add3A_351 = arith.constant 2 : i32
        %add3A_352 = arith.addi %mul3A_205, %add3A_351 : i32
        %dma_start3A_353 = arith.constant 0 : i32
        %dma_start3A_354 = arith.constant 0 : i32
        %dma_start3A_355 = arith.constant 0 : i32
        %dma_start3A_356 = arith.constant 0 : i32
        %dma_start3A_357 = tpu.memref_slice %arg8[%dma_start3A_354, %dma_start3A_355, %dma_start3A_356] : memref<2x128x128xbf16, #tpu.memory_space<vmem>> -> memref<1x128x128xbf16, #tpu.memory_space<vmem>>
        %dma_start3A_358 = tpu.memref_squeeze %dma_start3A_357 : memref<1x128x128xbf16, #tpu.memory_space<vmem>> -> memref<128x128xbf16, #tpu.memory_space<vmem>>
        %dma_start3A_359 = arith.constant 0 : i32
        %dma_start3A_360 = tpu.memref_slice %arg6[%add3A_352, %dma_start3A_353, %dma_start3A_359] : memref<80x1x128xi32, #tpu.memory_space<vmem>> -> memref<1x1x128xi32, #tpu.memory_space<vmem>>
        %dma_start3A_361 = tpu.memref_squeeze %dma_start3A_360 : memref<1x1x128xi32, #tpu.memory_space<vmem>> -> memref<128xi32, #tpu.memory_space<vmem>>
        %dma_start3A_362 = arith.constant 0 : i32
        %dma_start3A_363 = arith.constant 0 : i32
        %dma_start3A_364 = tpu.memref_slice %arg3[%dma_start3A_362, %dma_start3A_363] : memref<10000x128xbf16, #tpu.memory_space<hbm>> -> memref<10000x128xbf16, #tpu.memory_space<hbm>>
        tpu.enqueue_indirect_dma source(%dma_start3A_364 : memref<10000x128xbf16, #tpu.memory_space<hbm>>) target(%dma_start3A_358 : memref<128x128xbf16, #tpu.memory_space<vmem>>) offsets(%dma_start3A_361 : memref<128xi32, #tpu.memory_space<vmem>>) semaphore(%arg11 : memref<!tpu.dma_semaphore, #tpu.memory_space<semaphore_mem>>)
      } else {
      }
      %dma_wait3A_308 = arith.constant 1 : i32
      %dma_wait3A_309 = arith.constant 0 : i32
      %dma_wait3A_310 = arith.constant 0 : i32
      %dma_wait3A_311 = arith.constant 0 : i32
      %dma_wait3A_312 = tpu.memref_slice %arg8[%dma_wait3A_308, %dma_wait3A_310, %dma_wait3A_311] : memref<2x128x128xbf16, #tpu.memory_space<vmem>> -> memref<1x128x128xbf16, #tpu.memory_space<vmem>>
      %dma_wait3A_313 = tpu.memref_squeeze %dma_wait3A_312 : memref<1x128x128xbf16, #tpu.memory_space<vmem>> -> memref<128x128xbf16, #tpu.memory_space<vmem>>
      %dma_wait3A_314 = arith.constant 0 : i32
      %dma_wait3A_315 = tpu.memref_slice %arg7[%add3A_207, %dma_wait3A_309, %dma_wait3A_314] : memref<80x1x128xi32, #tpu.memory_space<vmem>> -> memref<1x1x128xi32, #tpu.memory_space<vmem>>
      %dma_wait3A_316 = tpu.memref_squeeze %dma_wait3A_315 : memref<1x1x128xi32, #tpu.memory_space<vmem>> -> memref<128xi32, #tpu.memory_space<vmem>>
      %dma_wait3A_317 = arith.constant 0 : i32
      %dma_wait3A_318 = arith.constant 0 : i32
      %dma_wait3A_319 = tpu.memref_slice %arg14[%dma_wait3A_317, %dma_wait3A_318] : memref<10240x128xbf16, #tpu.memory_space<vmem_shared>> -> memref<10240x128xbf16, #tpu.memory_space<vmem_shared>>
      tpu.wait_indirect_dma semaphore(%arg12 : memref<!tpu.dma_semaphore, #tpu.memory_space<semaphore_mem>>) src(%dma_wait3A_313 : memref<128x128xbf16, #tpu.memory_space<vmem>>) dst(%dma_wait3A_319 : memref<10240x128xbf16, #tpu.memory_space<vmem_shared>>)
      %jit3A_320 = arith.constant 2 : i32
      %div3A_321 = arith.divsi %select_n3A_4, %jit3A_320 : i32
      %sign3A_322 = arith.constant 0 : i32
      %sign3A_323 = arith.cmpi sgt, %select_n3A_4, %sign3A_322 : i32
      %sign3A_324 = arith.extui %sign3A_323 : i1 to i32
      %sign3A_325 = arith.constant 0 : i32
      %sign3A_326 = arith.cmpi slt, %select_n3A_4, %sign3A_325 : i32
      %sign3A_327 = arith.extui %sign3A_326 : i1 to i32
      %sign3A_328 = arith.subi %sign3A_324, %sign3A_327 : i32
      %sign3A_329 = arith.constant 0 : i32
      %sign3A_330 = arith.cmpi sgt, %jit3A_320, %sign3A_329 : i32
      %sign3A_331 = arith.extui %sign3A_330 : i1 to i32
      %sign3A_332 = arith.constant 0 : i32
      %sign3A_333 = arith.cmpi slt, %jit3A_320, %sign3A_332 : i32
      %sign3A_334 = arith.extui %sign3A_333 : i1 to i32
      %sign3A_335 = arith.subi %sign3A_331, %sign3A_334 : i32
      %ne3A_336 = arith.cmpi ne, %sign3A_328, %sign3A_335 : i32
      %rem3A_337 = arith.remsi %select_n3A_4, %jit3A_320 : i32
      %ne3A_338 = arith.constant 0 : i32
      %ne3A_339 = arith.cmpi ne, %rem3A_337, %ne3A_338 : i32
      %and3A_340 = arith.andi %ne3A_336, %ne3A_339 : i1
      %sub3A_341 = arith.constant 1 : i32
      %sub3A_342 = arith.subi %div3A_321, %sub3A_341 : i32
      %select_n3A_343 = arith.select %and3A_340, %sub3A_342, %div3A_321 : i32
      %sub3A_344 = arith.constant 1 : i32
      %sub3A_345 = arith.subi %select_n3A_343, %sub3A_344 : i32
      %lt3A_346 = arith.cmpi slt, %while3A_202, %sub3A_345 : i32
      %convert_element_type3A_347 = arith.extui %lt3A_346 : i1 to i32
      %cond3A_348 = arith.constant 0 : i32
      %cond3A_349 = arith.cmpi ne, %convert_element_type3A_347, %cond3A_348 : i32
      scf.if %cond3A_349 {
        %add3A_351 = arith.constant 2 : i32
        %add3A_352 = arith.addi %add3A_207, %add3A_351 : i32
        %dma_start3A_353 = arith.constant 0 : i32
        %dma_start3A_354 = arith.constant 1 : i32
        %dma_start3A_355 = arith.constant 0 : i32
        %dma_start3A_356 = arith.constant 0 : i32
        %dma_start3A_357 = tpu.memref_slice %arg8[%dma_start3A_354, %dma_start3A_355, %dma_start3A_356] : memref<2x128x128xbf16, #tpu.memory_space<vmem>> -> memref<1x128x128xbf16, #tpu.memory_space<vmem>>
        %dma_start3A_358 = tpu.memref_squeeze %dma_start3A_357 : memref<1x128x128xbf16, #tpu.memory_space<vmem>> -> memref<128x128xbf16, #tpu.memory_space<vmem>>
        %dma_start3A_359 = arith.constant 0 : i32
        %dma_start3A_360 = tpu.memref_slice %arg6[%add3A_352, %dma_start3A_353, %dma_start3A_359] : memref<80x1x128xi32, #tpu.memory_space<vmem>> -> memref<1x1x128xi32, #tpu.memory_space<vmem>>
        %dma_start3A_361 = tpu.memref_squeeze %dma_start3A_360 : memref<1x1x128xi32, #tpu.memory_space<vmem>> -> memref<128xi32, #tpu.memory_space<vmem>>
        %dma_start3A_362 = arith.constant 0 : i32
        %dma_start3A_363 = arith.constant 0 : i32
        %dma_start3A_364 = tpu.memref_slice %arg3[%dma_start3A_362, %dma_start3A_363] : memref<10000x128xbf16, #tpu.memory_space<hbm>> -> memref<10000x128xbf16, #tpu.memory_space<hbm>>
        tpu.enqueue_indirect_dma source(%dma_start3A_364 : memref<10000x128xbf16, #tpu.memory_space<hbm>>) target(%dma_start3A_358 : memref<128x128xbf16, #tpu.memory_space<vmem>>) offsets(%dma_start3A_361 : memref<128xi32, #tpu.memory_space<vmem>>) semaphore(%arg11 : memref<!tpu.dma_semaphore, #tpu.memory_space<semaphore_mem>>)
      } else {
      }
      %while3A_350 = arith.constant 0 : i32
      scf.yield %while3A_350 : i32
    }
    %while3A_185 = arith.constant 1 : i32
    %while3A_186 = scf.for %while3A_202 = %while3A_182 to %while3A_178 step %while3A_185 iter_args(%while3A_203 = %while3A_184) -> (i32)  : i32 {
      %mul3A_204 = arith.constant 2 : i32
      %mul3A_205 = arith.muli %mul3A_204, %while3A_202 : i32
      %add3A_206 = arith.constant 1 : i32
      %add3A_207 = arith.addi %mul3A_205, %add3A_206 : i32
      %dma_wait3A = arith.constant 0 : i32
      %dma_wait3A_208 = arith.constant 0 : i32
      %dma_wait3A_209 = arith.constant 0 : i32
      %dma_wait3A_210 = arith.constant 0 : i32
      %dma_wait3A_211 = tpu.memref_slice %arg8[%dma_wait3A_208, %dma_wait3A_209, %dma_wait3A_210] : memref<2x128x128xbf16, #tpu.memory_space<vmem>> -> memref<1x128x128xbf16, #tpu.memory_space<vmem>>
      %dma_wait3A_212 = tpu.memref_squeeze %dma_wait3A_211 : memref<1x128x128xbf16, #tpu.memory_space<vmem>> -> memref<128x128xbf16, #tpu.memory_space<vmem>>
      %dma_wait3A_213 = arith.constant 0 : i32
      %dma_wait3A_214 = tpu.memref_slice %arg6[%mul3A_205, %dma_wait3A, %dma_wait3A_213] : memref<80x1x128xi32, #tpu.memory_space<vmem>> -> memref<1x1x128xi32, #tpu.memory_space<vmem>>
      %dma_wait3A_215 = tpu.memref_squeeze %dma_wait3A_214 : memref<1x1x128xi32, #tpu.memory_space<vmem>> -> memref<128xi32, #tpu.memory_space<vmem>>
      %dma_wait3A_216 = arith.constant 0 : i32
      %dma_wait3A_217 = arith.constant 0 : i32
      %dma_wait3A_218 = tpu.memref_slice %arg3[%dma_wait3A_216, %dma_wait3A_217] : memref<10000x128xbf16, #tpu.memory_space<hbm>> -> memref<10000x128xbf16, #tpu.memory_space<hbm>>
      tpu.wait_indirect_dma semaphore(%arg11 : memref<!tpu.dma_semaphore, #tpu.memory_space<semaphore_mem>>) src(%dma_wait3A_218 : memref<10000x128xbf16, #tpu.memory_space<hbm>>) dst(%dma_wait3A_212 : memref<128x128xbf16, #tpu.memory_space<vmem>>)
      %dma_start3A_219 = arith.constant 0 : i32
      %dma_start3A_220 = arith.constant 0 : i32
      %dma_start3A_221 = arith.constant 0 : i32
      %dma_start3A_222 = arith.constant 0 : i32
      %dma_start3A_223 = tpu.memref_slice %arg8[%dma_start3A_219, %dma_start3A_221, %dma_start3A_222] : memref<2x128x128xbf16, #tpu.memory_space<vmem>> -> memref<1x128x128xbf16, #tpu.memory_space<vmem>>
      %dma_start3A_224 = tpu.memref_squeeze %dma_start3A_223 : memref<1x128x128xbf16, #tpu.memory_space<vmem>> -> memref<128x128xbf16, #tpu.memory_space<vmem>>
      %dma_start3A_225 = arith.constant 0 : i32
      %dma_start3A_226 = tpu.memref_slice %arg7[%mul3A_205, %dma_start3A_220, %dma_start3A_225] : memref<80x1x128xi32, #tpu.memory_space<vmem>> -> memref<1x1x128xi32, #tpu.memory_space<vmem>>
      %dma_start3A_227 = tpu.memref_squeeze %dma_start3A_226 : memref<1x1x128xi32, #tpu.memory_space<vmem>> -> memref<128xi32, #tpu.memory_space<vmem>>
      %dma_start3A_228 = arith.constant 0 : i32
      %dma_start3A_229 = arith.constant 0 : i32
      %dma_start3A_230 = tpu.memref_slice %arg14[%dma_start3A_228, %dma_start3A_229] : memref<10240x128xbf16, #tpu.memory_space<vmem_shared>> -> memref<10240x128xbf16, #tpu.memory_space<vmem_shared>>
      tpu.enqueue_indirect_dma source(%dma_start3A_224 : memref<128x128xbf16, #tpu.memory_space<vmem>>) target(%dma_start3A_230 : memref<10240x128xbf16, #tpu.memory_space<vmem_shared>>) offsets(%dma_start3A_227 : memref<128xi32, #tpu.memory_space<vmem>>) semaphore(%arg12 : memref<!tpu.dma_semaphore, #tpu.memory_space<semaphore_mem>>) {add = true}
      %dma_start3A_231 = arith.constant 0 : i32
      %dma_start3A_232 = arith.constant 0 : i32
      %dma_start3A_233 = tpu.memref_slice %arg7[%mul3A_205, %dma_start3A_231, %dma_start3A_232] : memref<80x1x128xi32, #tpu.memory_space<vmem>> -> memref<1x1x128xi32, #tpu.memory_space<vmem>>
      %dma_start3A_234 = tpu.memref_squeeze %dma_start3A_233 : memref<1x1x128xi32, #tpu.memory_space<vmem>> -> memref<128xi32, #tpu.memory_space<vmem>>
      %dma_start3A_235 = arith.constant 0 : i32
      %dma_start3A_236 = tpu.memref_slice %arg15[%dma_start3A_235] : memref<10240xf32, #tpu.memory_space<vmem_shared>> -> memref<10240xf32, #tpu.memory_space<vmem_shared>>
      tpu.enqueue_indirect_dma source(%arg9 : memref<128xf32, #tpu.memory_space<vmem>>) target(%dma_start3A_236 : memref<10240xf32, #tpu.memory_space<vmem_shared>>) offsets(%dma_start3A_234 : memref<128xi32, #tpu.memory_space<vmem>>) semaphore(%arg13 : memref<!tpu.dma_semaphore, #tpu.memory_space<semaphore_mem>>) {add = true}
      %dma_wait3A_237 = arith.constant 0 : i32
      %dma_wait3A_238 = arith.constant 1 : i32
      %dma_wait3A_239 = arith.constant 0 : i32
      %dma_wait3A_240 = arith.constant 0 : i32
      %dma_wait3A_241 = tpu.memref_slice %arg8[%dma_wait3A_238, %dma_wait3A_239, %dma_wait3A_240] : memref<2x128x128xbf16, #tpu.memory_space<vmem>> -> memref<1x128x128xbf16, #tpu.memory_space<vmem>>
      %dma_wait3A_242 = tpu.memref_squeeze %dma_wait3A_241 : memref<1x128x128xbf16, #tpu.memory_space<vmem>> -> memref<128x128xbf16, #tpu.memory_space<vmem>>
      %dma_wait3A_243 = arith.constant 0 : i32
      %dma_wait3A_244 = tpu.memref_slice %arg6[%add3A_207, %dma_wait3A_237, %dma_wait3A_243] : memref<80x1x128xi32, #tpu.memory_space<vmem>> -> memref<1x1x128xi32, #tpu.memory_space<vmem>>
      %dma_wait3A_245 = tpu.memref_squeeze %dma_wait3A_244 : memref<1x1x128xi32, #tpu.memory_space<vmem>> -> memref<128xi32, #tpu.memory_space<vmem>>
      %dma_wait3A_246 = arith.constant 0 : i32
      %dma_wait3A_247 = arith.constant 0 : i32
      %dma_wait3A_248 = tpu.memref_slice %arg3[%dma_wait3A_246, %dma_wait3A_247] : memref<10000x128xbf16, #tpu.memory_space<hbm>> -> memref<10000x128xbf16, #tpu.memory_space<hbm>>
      tpu.wait_indirect_dma semaphore(%arg11 : memref<!tpu.dma_semaphore, #tpu.memory_space<semaphore_mem>>) src(%dma_wait3A_248 : memref<10000x128xbf16, #tpu.memory_space<hbm>>) dst(%dma_wait3A_242 : memref<128x128xbf16, #tpu.memory_space<vmem>>)
      %dma_start3A_249 = arith.constant 1 : i32
      %dma_start3A_250 = arith.constant 0 : i32
      %dma_start3A_251 = arith.constant 0 : i32
      %dma_start3A_252 = arith.constant 0 : i32
      %dma_start3A_253 = tpu.memref_slice %arg8[%dma_start3A_249, %dma_start3A_251, %dma_start3A_252] : memref<2x128x128xbf16, #tpu.memory_space<vmem>> -> memref<1x128x128xbf16, #tpu.memory_space<vmem>>
      %dma_start3A_254 = tpu.memref_squeeze %dma_start3A_253 : memref<1x128x128xbf16, #tpu.memory_space<vmem>> -> memref<128x128xbf16, #tpu.memory_space<vmem>>
      %dma_start3A_255 = arith.constant 0 : i32
      %dma_start3A_256 = tpu.memref_slice %arg7[%add3A_207, %dma_start3A_250, %dma_start3A_255] : memref<80x1x128xi32, #tpu.memory_space<vmem>> -> memref<1x1x128xi32, #tpu.memory_space<vmem>>
      %dma_start3A_257 = tpu.memref_squeeze %dma_start3A_256 : memref<1x1x128xi32, #tpu.memory_space<vmem>> -> memref<128xi32, #tpu.memory_space<vmem>>
      %dma_start3A_258 = arith.constant 0 : i32
      %dma_start3A_259 = arith.constant 0 : i32
      %dma_start3A_260 = tpu.memref_slice %arg14[%dma_start3A_258, %dma_start3A_259] : memref<10240x128xbf16, #tpu.memory_space<vmem_shared>> -> memref<10240x128xbf16, #tpu.memory_space<vmem_shared>>
      tpu.enqueue_indirect_dma source(%dma_start3A_254 : memref<128x128xbf16, #tpu.memory_space<vmem>>) target(%dma_start3A_260 : memref<10240x128xbf16, #tpu.memory_space<vmem_shared>>) offsets(%dma_start3A_257 : memref<128xi32, #tpu.memory_space<vmem>>) semaphore(%arg12 : memref<!tpu.dma_semaphore, #tpu.memory_space<semaphore_mem>>) {add = true}
      %dma_start3A_261 = arith.constant 0 : i32
      %dma_start3A_262 = arith.constant 0 : i32
      %dma_start3A_263 = tpu.memref_slice %arg7[%add3A_207, %dma_start3A_261, %dma_start3A_262] : memref<80x1x128xi32, #tpu.memory_space<vmem>> -> memref<1x1x128xi32, #tpu.memory_space<vmem>>
      %dma_start3A_264 = tpu.memref_squeeze %dma_start3A_263 : memref<1x1x128xi32, #tpu.memory_space<vmem>> -> memref<128xi32, #tpu.memory_space<vmem>>
      %dma_start3A_265 = arith.constant 0 : i32
      %dma_start3A_266 = tpu.memref_slice %arg15[%dma_start3A_265] : memref<10240xf32, #tpu.memory_space<vmem_shared>> -> memref<10240xf32, #tpu.memory_space<vmem_shared>>
      tpu.enqueue_indirect_dma source(%arg9 : memref<128xf32, #tpu.memory_space<vmem>>) target(%dma_start3A_266 : memref<10240xf32, #tpu.memory_space<vmem_shared>>) offsets(%dma_start3A_264 : memref<128xi32, #tpu.memory_space<vmem>>) semaphore(%arg13 : memref<!tpu.dma_semaphore, #tpu.memory_space<semaphore_mem>>) {add = true}
      %dma_wait3A_267 = arith.constant 0 : i32
      %dma_wait3A_268 = arith.constant 0 : i32
      %dma_wait3A_269 = arith.constant 0 : i32
      %dma_wait3A_270 = arith.constant 0 : i32
      %dma_wait3A_271 = tpu.memref_slice %arg8[%dma_wait3A_267, %dma_wait3A_269, %dma_wait3A_270] : memref<2x128x128xbf16, #tpu.memory_space<vmem>> -> memref<1x128x128xbf16, #tpu.memory_space<vmem>>
      %dma_wait3A_272 = tpu.memref_squeeze %dma_wait3A_271 : memref<1x128x128xbf16, #tpu.memory_space<vmem>> -> memref<128x128xbf16, #tpu.memory_space<vmem>>
      %dma_wait3A_273 = arith.constant 0 : i32
      %dma_wait3A_274 = tpu.memref_slice %arg7[%mul3A_205, %dma_wait3A_268, %dma_wait3A_273] : memref<80x1x128xi32, #tpu.memory_space<vmem>> -> memref<1x1x128xi32, #tpu.memory_space<vmem>>
      %dma_wait3A_275 = tpu.memref_squeeze %dma_wait3A_274 : memref<1x1x128xi32, #tpu.memory_space<vmem>> -> memref<128xi32, #tpu.memory_space<vmem>>
      %dma_wait3A_276 = arith.constant 0 : i32
      %dma_wait3A_277 = arith.constant 0 : i32
      %dma_wait3A_278 = tpu.memref_slice %arg14[%dma_wait3A_276, %dma_wait3A_277] : memref<10240x128xbf16, #tpu.memory_space<vmem_shared>> -> memref<10240x128xbf16, #tpu.memory_space<vmem_shared>>
      tpu.wait_indirect_dma semaphore(%arg12 : memref<!tpu.dma_semaphore, #tpu.memory_space<semaphore_mem>>) src(%dma_wait3A_272 : memref<128x128xbf16, #tpu.memory_space<vmem>>) dst(%dma_wait3A_278 : memref<10240x128xbf16, #tpu.memory_space<vmem_shared>>)
      %jit3A_279 = arith.constant 2 : i32
      %div3A_280 = arith.divsi %select_n3A_4, %jit3A_279 : i32
      %sign3A_281 = arith.constant 0 : i32
      %sign3A_282 = arith.cmpi sgt, %select_n3A_4, %sign3A_281 : i32
      %sign3A_283 = arith.extui %sign3A_282 : i1 to i32
      %sign3A_284 = arith.constant 0 : i32
      %sign3A_285 = arith.cmpi slt, %select_n3A_4, %sign3A_284 : i32
      %sign3A_286 = arith.extui %sign3A_285 : i1 to i32
      %sign3A_287 = arith.subi %sign3A_283, %sign3A_286 : i32
      %sign3A_288 = arith.constant 0 : i32
      %sign3A_289 = arith.cmpi sgt, %jit3A_279, %sign3A_288 : i32
      %sign3A_290 = arith.extui %sign3A_289 : i1 to i32
      %sign3A_291 = arith.constant 0 : i32
      %sign3A_292 = arith.cmpi slt, %jit3A_279, %sign3A_291 : i32
      %sign3A_293 = arith.extui %sign3A_292 : i1 to i32
      %sign3A_294 = arith.subi %sign3A_290, %sign3A_293 : i32
      %ne3A_295 = arith.cmpi ne, %sign3A_287, %sign3A_294 : i32
      %rem3A_296 = arith.remsi %select_n3A_4, %jit3A_279 : i32
      %ne3A_297 = arith.constant 0 : i32
      %ne3A_298 = arith.cmpi ne, %rem3A_296, %ne3A_297 : i32
      %and3A_299 = arith.andi %ne3A_295, %ne3A_298 : i1
      %sub3A_300 = arith.constant 1 : i32
      %sub3A_301 = arith.subi %div3A_280, %sub3A_300 : i32
      %select_n3A_302 = arith.select %and3A_299, %sub3A_301, %div3A_280 : i32
      %sub3A_303 = arith.constant 1 : i32
      %sub3A_304 = arith.subi %select_n3A_302, %sub3A_303 : i32
      %lt3A = arith.cmpi slt, %while3A_202, %sub3A_304 : i32
      %convert_element_type3A_305 = arith.extui %lt3A : i1 to i32
      %cond3A_306 = arith.constant 0 : i32
      %cond3A_307 = arith.cmpi ne, %convert_element_type3A_305, %cond3A_306 : i32
      scf.if %cond3A_307 {
        %add3A_351 = arith.constant 2 : i32
        %add3A_352 = arith.addi %mul3A_205, %add3A_351 : i32
        %dma_start3A_353 = arith.constant 0 : i32
        %dma_start3A_354 = arith.constant 0 : i32
        %dma_start3A_355 = arith.constant 0 : i32
        %dma_start3A_356 = arith.constant 0 : i32
        %dma_start3A_357 = tpu.memref_slice %arg8[%dma_start3A_354, %dma_start3A_355, %dma_start3A_356] : memref<2x128x128xbf16, #tpu.memory_space<vmem>> -> memref<1x128x128xbf16, #tpu.memory_space<vmem>>
        %dma_start3A_358 = tpu.memref_squeeze %dma_start3A_357 : memref<1x128x128xbf16, #tpu.memory_space<vmem>> -> memref<128x128xbf16, #tpu.memory_space<vmem>>
        %dma_start3A_359 = arith.constant 0 : i32
        %dma_start3A_360 = tpu.memref_slice %arg6[%add3A_352, %dma_start3A_353, %dma_start3A_359] : memref<80x1x128xi32, #tpu.memory_space<vmem>> -> memref<1x1x128xi32, #tpu.memory_space<vmem>>
        %dma_start3A_361 = tpu.memref_squeeze %dma_start3A_360 : memref<1x1x128xi32, #tpu.memory_space<vmem>> -> memref<128xi32, #tpu.memory_space<vmem>>
        %dma_start3A_362 = arith.constant 0 : i32
        %dma_start3A_363 = arith.constant 0 : i32
        %dma_start3A_364 = tpu.memref_slice %arg3[%dma_start3A_362, %dma_start3A_363] : memref<10000x128xbf16, #tpu.memory_space<hbm>> -> memref<10000x128xbf16, #tpu.memory_space<hbm>>
        tpu.enqueue_indirect_dma source(%dma_start3A_364 : memref<10000x128xbf16, #tpu.memory_space<hbm>>) target(%dma_start3A_358 : memref<128x128xbf16, #tpu.memory_space<vmem>>) offsets(%dma_start3A_361 : memref<128xi32, #tpu.memory_space<vmem>>) semaphore(%arg11 : memref<!tpu.dma_semaphore, #tpu.memory_space<semaphore_mem>>)
      } else {
      }
      %dma_wait3A_308 = arith.constant 1 : i32
      %dma_wait3A_309 = arith.constant 0 : i32
      %dma_wait3A_310 = arith.constant 0 : i32
      %dma_wait3A_311 = arith.constant 0 : i32
      %dma_wait3A_312 = tpu.memref_slice %arg8[%dma_wait3A_308, %dma_wait3A_310, %dma_wait3A_311] : memref<2x128x128xbf16, #tpu.memory_space<vmem>> -> memref<1x128x128xbf16, #tpu.memory_space<vmem>>
      %dma_wait3A_313 = tpu.memref_squeeze %dma_wait3A_312 : memref<1x128x128xbf16, #tpu.memory_space<vmem>> -> memref<128x128xbf16, #tpu.memory_space<vmem>>
      %dma_wait3A_314 = arith.constant 0 : i32
      %dma_wait3A_315 = tpu.memref_slice %arg7[%add3A_207, %dma_wait3A_309, %dma_wait3A_314] : memref<80x1x128xi32, #tpu.memory_space<vmem>> -> memref<1x1x128xi32, #tpu.memory_space<vmem>>
      %dma_wait3A_316 = tpu.memref_squeeze %dma_wait3A_315 : memref<1x1x128xi32, #tpu.memory_space<vmem>> -> memref<128xi32, #tpu.memory_space<vmem>>
      %dma_wait3A_317 = arith.constant 0 : i32
      %dma_wait3A_318 = arith.constant 0 : i32
      %dma_wait3A_319 = tpu.memref_slice %arg14[%dma_wait3A_317, %dma_wait3A_318] : memref<10240x128xbf16, #tpu.memory_space<vmem_shared>> -> memref<10240x128xbf16, #tpu.memory_space<vmem_shared>>
      tpu.wait_indirect_dma semaphore(%arg12 : memref<!tpu.dma_semaphore, #tpu.memory_space<semaphore_mem>>) src(%dma_wait3A_313 : memref<128x128xbf16, #tpu.memory_space<vmem>>) dst(%dma_wait3A_319 : memref<10240x128xbf16, #tpu.memory_space<vmem_shared>>)
      %jit3A_320 = arith.constant 2 : i32
      %div3A_321 = arith.divsi %select_n3A_4, %jit3A_320 : i32
      %sign3A_322 = arith.constant 0 : i32
      %sign3A_323 = arith.cmpi sgt, %select_n3A_4, %sign3A_322 : i32
      %sign3A_324 = arith.extui %sign3A_323 : i1 to i32
      %sign3A_325 = arith.constant 0 : i32
      %sign3A_326 = arith.cmpi slt, %select_n3A_4, %sign3A_325 : i32
      %sign3A_327 = arith.extui %sign3A_326 : i1 to i32
      %sign3A_328 = arith.subi %sign3A_324, %sign3A_327 : i32
      %sign3A_329 = arith.constant 0 : i32
      %sign3A_330 = arith.cmpi sgt, %jit3A_320, %sign3A_329 : i32
      %sign3A_331 = arith.extui %sign3A_330 : i1 to i32
      %sign3A_332 = arith.constant 0 : i32
      %sign3A_333 = arith.cmpi slt, %jit3A_320, %sign3A_332 : i32
      %sign3A_334 = arith.extui %sign3A_333 : i1 to i32
      %sign3A_335 = arith.subi %sign3A_331, %sign3A_334 : i32
      %ne3A_336 = arith.cmpi ne, %sign3A_328, %sign3A_335 : i32
      %rem3A_337 = arith.remsi %select_n3A_4, %jit3A_320 : i32
      %ne3A_338 = arith.constant 0 : i32
      %ne3A_339 = arith.cmpi ne, %rem3A_337, %ne3A_338 : i32
      %and3A_340 = arith.andi %ne3A_336, %ne3A_339 : i1
      %sub3A_341 = arith.constant 1 : i32
      %sub3A_342 = arith.subi %div3A_321, %sub3A_341 : i32
      %select_n3A_343 = arith.select %and3A_340, %sub3A_342, %div3A_321 : i32
      %sub3A_344 = arith.constant 1 : i32
      %sub3A_345 = arith.subi %select_n3A_343, %sub3A_344 : i32
      %lt3A_346 = arith.cmpi slt, %while3A_202, %sub3A_345 : i32
      %convert_element_type3A_347 = arith.extui %lt3A_346 : i1 to i32
      %cond3A_348 = arith.constant 0 : i32
      %cond3A_349 = arith.cmpi ne, %convert_element_type3A_347, %cond3A_348 : i32
      scf.if %cond3A_349 {
        %add3A_351 = arith.constant 2 : i32
        %add3A_352 = arith.addi %add3A_207, %add3A_351 : i32
        %dma_start3A_353 = arith.constant 0 : i32
        %dma_start3A_354 = arith.constant 1 : i32
        %dma_start3A_355 = arith.constant 0 : i32
        %dma_start3A_356 = arith.constant 0 : i32
        %dma_start3A_357 = tpu.memref_slice %arg8[%dma_start3A_354, %dma_start3A_355, %dma_start3A_356] : memref<2x128x128xbf16, #tpu.memory_space<vmem>> -> memref<1x128x128xbf16, #tpu.memory_space<vmem>>
        %dma_start3A_358 = tpu.memref_squeeze %dma_start3A_357 : memref<1x128x128xbf16, #tpu.memory_space<vmem>> -> memref<128x128xbf16, #tpu.memory_space<vmem>>
        %dma_start3A_359 = arith.constant 0 : i32
        %dma_start3A_360 = tpu.memref_slice %arg6[%add3A_352, %dma_start3A_353, %dma_start3A_359] : memref<80x1x128xi32, #tpu.memory_space<vmem>> -> memref<1x1x128xi32, #tpu.memory_space<vmem>>
        %dma_start3A_361 = tpu.memref_squeeze %dma_start3A_360 : memref<1x1x128xi32, #tpu.memory_space<vmem>> -> memref<128xi32, #tpu.memory_space<vmem>>
        %dma_start3A_362 = arith.constant 0 : i32
        %dma_start3A_363 = arith.constant 0 : i32
        %dma_start3A_364 = tpu.memref_slice %arg3[%dma_start3A_362, %dma_start3A_363] : memref<10000x128xbf16, #tpu.memory_space<hbm>> -> memref<10000x128xbf16, #tpu.memory_space<hbm>>
        tpu.enqueue_indirect_dma source(%dma_start3A_364 : memref<10000x128xbf16, #tpu.memory_space<hbm>>) target(%dma_start3A_358 : memref<128x128xbf16, #tpu.memory_space<vmem>>) offsets(%dma_start3A_361 : memref<128xi32, #tpu.memory_space<vmem>>) semaphore(%arg11 : memref<!tpu.dma_semaphore, #tpu.memory_space<semaphore_mem>>)
      } else {
      }
      %while3A_350 = arith.constant 0 : i32
      scf.yield %while3A_350 : i32
    }
    %while3A_187 = arith.constant 0 : i32
    %while3A_188 = arith.constant 0 : i32
    %while3A_189 = arith.subi %select_n3A_4, %while3A_187 : i32
    %while3A_190 = arith.addi %while3A_187, %while3A_189 : i32
    %while3A_191 = arith.constant 1 : i32
    %while3A_192 = arith.divsi %while3A_189, %while3A_191 : i32
    %while3A_193 = arith.muli %while3A_192, %while3A_191 : i32
    %while3A_194 = arith.addi %while3A_187, %while3A_193 : i32
    %while3A_195 = arith.constant 1 : i32
    %while3A_196 = scf.for %while3A_202 = %while3A_187 to %while3A_194 step %while3A_195 iter_args(%while3A_203 = %while3A_188) -> (i32)  : i32 {
      %dma_wait3A = arith.constant 0 : i32
      %dma_wait3A_204 = arith.constant 0 : i32
      %dma_wait3A_205 = arith.constant 0 : i32
      %dma_wait3A_206 = tpu.memref_slice %arg7[%dma_wait3A, %dma_wait3A_204, %dma_wait3A_205] : memref<80x1x128xi32, #tpu.memory_space<vmem>> -> memref<1x1x128xi32, #tpu.memory_space<vmem>>
      %dma_wait3A_207 = tpu.memref_squeeze %dma_wait3A_206 : memref<1x1x128xi32, #tpu.memory_space<vmem>> -> memref<128xi32, #tpu.memory_space<vmem>>
      %dma_wait3A_208 = arith.constant 0 : i32
      %dma_wait3A_209 = tpu.memref_slice %arg15[%dma_wait3A_208] : memref<10240xf32, #tpu.memory_space<vmem_shared>> -> memref<10240xf32, #tpu.memory_space<vmem_shared>>
      tpu.wait_indirect_dma semaphore(%arg13 : memref<!tpu.dma_semaphore, #tpu.memory_space<semaphore_mem>>) src(%arg9 : memref<128xf32, #tpu.memory_space<vmem>>) dst(%dma_wait3A_209 : memref<10240xf32, #tpu.memory_space<vmem_shared>>)
      %while3A_210 = arith.constant 0 : i32
      scf.yield %while3A_210 : i32
    }
    %while3A_197 = arith.constant 1 : i32
    %while3A_198 = scf.for %while3A_202 = %while3A_194 to %while3A_190 step %while3A_197 iter_args(%while3A_203 = %while3A_196) -> (i32)  : i32 {
      %dma_wait3A = arith.constant 0 : i32
      %dma_wait3A_204 = arith.constant 0 : i32
      %dma_wait3A_205 = arith.constant 0 : i32
      %dma_wait3A_206 = tpu.memref_slice %arg7[%dma_wait3A, %dma_wait3A_204, %dma_wait3A_205] : memref<80x1x128xi32, #tpu.memory_space<vmem>> -> memref<1x1x128xi32, #tpu.memory_space<vmem>>
      %dma_wait3A_207 = tpu.memref_squeeze %dma_wait3A_206 : memref<1x1x128xi32, #tpu.memory_space<vmem>> -> memref<128xi32, #tpu.memory_space<vmem>>
      %dma_wait3A_208 = arith.constant 0 : i32
      %dma_wait3A_209 = tpu.memref_slice %arg15[%dma_wait3A_208] : memref<10240xf32, #tpu.memory_space<vmem_shared>> -> memref<10240xf32, #tpu.memory_space<vmem_shared>>
      tpu.wait_indirect_dma semaphore(%arg13 : memref<!tpu.dma_semaphore, #tpu.memory_space<semaphore_mem>>) src(%arg9 : memref<128xf32, #tpu.memory_space<vmem>>) dst(%dma_wait3A_209 : memref<10240xf32, #tpu.memory_space<vmem_shared>>)
      %while3A_210 = arith.constant 0 : i32
      scf.yield %while3A_210 : i32
    }
    %barrier3A_199 = arith.constant 0 : index
    tpu.barrier barrier_id(%barrier3A_199)
    %mul3A_200 = arith.constant 640 : i32
    %mul3A_201 = arith.muli %arg1, %mul3A_200 : i32
    "tpu.region"() ({
      %run_scoped3A_202 = tpu.sem_alloc : memref<!tpu.dma_semaphore, #tpu.memory_space<semaphore_mem>>
      %dma_start3A_203 = arith.constant 0 : i32
      %dma_start3A_204 = tpu.memref_slice %arg4[%arg0, %mul3A_201, %dma_start3A_203] : memref<2x10240x128xbf16, #tpu.memory_space<hbm>> -> memref<1x640x128xbf16, #tpu.memory_space<hbm>>
      %dma_start3A_205 = tpu.memref_squeeze %dma_start3A_204 : memref<1x640x128xbf16, #tpu.memory_space<hbm>> -> memref<640x128xbf16, #tpu.memory_space<hbm>>
      %dma_start3A_206 = arith.constant 0 : i32
      %dma_start3A_207 = tpu.memref_slice %arg14[%mul3A_201, %dma_start3A_206] : memref<10240x128xbf16, #tpu.memory_space<vmem_shared>> -> memref<640x128xbf16, #tpu.memory_space<vmem_shared>>
      tpu.enqueue_dma source(%dma_start3A_207 : memref<640x128xbf16, #tpu.memory_space<vmem_shared>>) target(%dma_start3A_205 : memref<640x128xbf16, #tpu.memory_space<hbm>>) target_semaphore(%run_scoped3A_202 : memref<!tpu.dma_semaphore, #tpu.memory_space<semaphore_mem>>)
      %dma_wait3A = arith.constant 0 : i32
      %dma_wait3A_208 = tpu.memref_slice %arg4[%arg0, %mul3A_201, %dma_wait3A] : memref<2x10240x128xbf16, #tpu.memory_space<hbm>> -> memref<1x640x128xbf16, #tpu.memory_space<hbm>>
      %dma_wait3A_209 = tpu.memref_squeeze %dma_wait3A_208 : memref<1x640x128xbf16, #tpu.memory_space<hbm>> -> memref<640x128xbf16, #tpu.memory_space<hbm>>
      %dma_wait3A_210 = arith.constant 0 : i32
      %dma_wait3A_211 = tpu.memref_slice %arg14[%mul3A_201, %dma_wait3A_210] : memref<10240x128xbf16, #tpu.memory_space<vmem_shared>> -> memref<640x128xbf16, #tpu.memory_space<vmem_shared>>
      tpu.wait_dma2 semaphore(%run_scoped3A_202 : memref<!tpu.dma_semaphore, #tpu.memory_space<semaphore_mem>>) src(%dma_wait3A_211 : memref<640x128xbf16, #tpu.memory_space<vmem_shared>>) dst(%dma_wait3A_209 : memref<640x128xbf16, #tpu.memory_space<hbm>>)
      tpu.yield
    }) : () -> ()
    "tpu.region"() ({
      %run_scoped3A_202 = tpu.sem_alloc : memref<!tpu.dma_semaphore, #tpu.memory_space<semaphore_mem>>
      %dma_start3A_203 = tpu.memref_slice %arg5[%arg0, %mul3A_201] : memref<2x10240xf32, #tpu.memory_space<hbm>> -> memref<1x640xf32, #tpu.memory_space<hbm>>
      %dma_start3A_204 = tpu.memref_squeeze %dma_start3A_203 : memref<1x640xf32, #tpu.memory_space<hbm>> -> memref<640xf32, #tpu.memory_space<hbm>>
      %dma_start3A_205 = tpu.memref_slice %arg15[%mul3A_201] : memref<10240xf32, #tpu.memory_space<vmem_shared>> -> memref<640xf32, #tpu.memory_space<vmem_shared>>
      tpu.enqueue_dma source(%dma_start3A_205 : memref<640xf32, #tpu.memory_space<vmem_shared>>) target(%dma_start3A_204 : memref<640xf32, #tpu.memory_space<hbm>>) target_semaphore(%run_scoped3A_202 : memref<!tpu.dma_semaphore, #tpu.memory_space<semaphore_mem>>)
      %dma_wait3A = tpu.memref_slice %arg5[%arg0, %mul3A_201] : memref<2x10240xf32, #tpu.memory_space<hbm>> -> memref<1x640xf32, #tpu.memory_space<hbm>>
      %dma_wait3A_206 = tpu.memref_squeeze %dma_wait3A : memref<1x640xf32, #tpu.memory_space<hbm>> -> memref<640xf32, #tpu.memory_space<hbm>>
      %dma_wait3A_207 = tpu.memref_slice %arg15[%mul3A_201] : memref<10240xf32, #tpu.memory_space<vmem_shared>> -> memref<640xf32, #tpu.memory_space<vmem_shared>>
      tpu.wait_dma2 semaphore(%run_scoped3A_202 : memref<!tpu.dma_semaphore, #tpu.memory_space<semaphore_mem>>) src(%dma_wait3A_207 : memref<640xf32, #tpu.memory_space<vmem_shared>>) dst(%dma_wait3A_206 : memref<640xf32, #tpu.memory_space<hbm>>)
      tpu.yield
    }) : () -> ()
    return
  }
}

module attributes {stable_mosaic.version = 14 : i64} {
  func.func @_h_body(%arg0: i32, %arg1: memref<2000x128xf32, #tpu.memory_space<vmem>>, %arg2: memref<128x128xf32, #tpu.memory_space<vmem>>, %arg3: memref<1x128xf32, #tpu.memory_space<vmem>>, %arg4: memref<2000x128xbf16, #tpu.memory_space<vmem>>) attributes {dimension_semantics = [#tpu.dimension_semantics<arbitrary>], iteration_bounds = array<i64: 5>, scalar_prefetch = 0 : i64, scratch_operands = 0 : i64, tpu.core_type = #tpu.core_type<tc>, window_params = [{transform_indices = @transform_0, window_bounds = array<i64: 2000, 128>}, {pipeline_mode = #tpu.pipeline_mode<synchronous>, transform_indices = @transform_1, window_bounds = array<i64: 128, 128>}, {pipeline_mode = #tpu.pipeline_mode<synchronous>, transform_indices = @transform_2, window_bounds = array<i64: 1, 128>}, {transform_indices = @transform_3, window_bounds = array<i64: 2000, 128>}]} {
    %get3A = arith.constant 0 : index
    %get3A_0 = arith.constant 0 : index
    %get3A_1 = vector.load %arg1[%get3A, %get3A_0] : memref<2000x128xf32, #tpu.memory_space<vmem>>, vector<2000x128xf32>
    %get3A_2 = arith.constant 0 : index
    %get3A_3 = arith.constant 0 : index
    %get3A_4 = vector.load %arg2[%get3A_2, %get3A_3] : memref<128x128xf32, #tpu.memory_space<vmem>>, vector<128x128xf32>
    %dot_general3A = arith.constant dense<0.000000e+00> : vector<2000x128xf32>
    %dot_general3A_5 = tpu.matmul %get3A_1, %get3A_4, %dot_general3A {dimension_numbers = #tpu.dot_dimension_numbers<[1], [1], [0], [0], [0, 0, 1, 0], [], []>, transpose_lhs_hint = false} : vector<2000x128xf32>, vector<128x128xf32>, vector<2000x128xf32> -> vector<2000x128xf32>
    %get3A_6 = arith.constant 0 : index
    %get3A_7 = arith.constant 0 : index
    %get3A_8 = vector.load %arg3[%get3A_6, %get3A_7] : memref<1x128xf32, #tpu.memory_space<vmem>>, vector<1x128xf32>
    %add3A = vector.broadcast %get3A_8 : vector<1x128xf32> to vector<2000x128xf32>
    %add3A_9 = arith.addf %dot_general3A_5, %add3A : vector<2000x128xf32>
    %mul3A = arith.mulf %add3A_9, %add3A_9 : vector<2000x128xf32>
    %reduce_sum3A = arith.constant dense<0.000000e+00> : vector<2000xf32>
    %reduce_sum3A_10 = vector.multi_reduction <add>, %mul3A, %reduce_sum3A [1] : vector<2000x128xf32> to vector<2000xf32>
    %broadcast_in_dim3A = vector.shape_cast %reduce_sum3A_10 : vector<2000xf32> to vector<2000x1xf32>
    %sqrt3A = math.sqrt %broadcast_in_dim3A : vector<2000x1xf32>
    %div3A = vector.broadcast %sqrt3A : vector<2000x1xf32> to vector<2000x128xf32>
    %div3A_11 = arith.divf %add3A_9, %div3A : vector<2000x128xf32>
    %convert_element_type3A = arith.truncf %div3A_11 : vector<2000x128xf32> to vector<2000x128xbf16>
    %swap3A = arith.constant 0 : index
    %swap3A_12 = arith.constant 0 : index
    %swap3A_13 = vector.load %arg4[%swap3A, %swap3A_12] : memref<2000x128xbf16, #tpu.memory_space<vmem>>, vector<2000x128xbf16>
    tpu.vector_store %arg4[%swap3A, %swap3A_12], %convert_element_type3A {strides = array<i32>} : memref<2000x128xbf16, #tpu.memory_space<vmem>>, vector<2000x128xbf16>,
    return
  }
  func.func @transform_0(%arg0: i32) -> (i32, i32) {
    %c0_i32 = arith.constant 0 : i32
    %c0_i32_0 = arith.constant 0 : i32
    return %arg0, %c0_i32 : i32, i32
  }
  func.func @transform_1(%arg0: i32) -> (i32, i32) {
    %c0_i32 = arith.constant 0 : i32
    %c0_i32_0 = arith.constant 0 : i32
    %c0_i32_1 = arith.constant 0 : i32
    return %c0_i32, %c0_i32_0 : i32, i32
  }
  func.func @transform_2(%arg0: i32) -> (i32, i32) {
    %c0_i32 = arith.constant 0 : i32
    %c0_i32_0 = arith.constant 0 : i32
    %c0_i32_1 = arith.constant 0 : i32
    return %c0_i32, %c0_i32_0 : i32, i32
  }
  func.func @transform_3(%arg0: i32) -> (i32, i32) {
    %c0_i32 = arith.constant 0 : i32
    %c0_i32_0 = arith.constant 0 : i32
    return %arg0, %c0_i32 : i32, i32
  }
}

module attributes {stable_mosaic.version = 14 : i64} {
  func.func @_var_body(%arg0: i32, %arg1: memref<2x1024x128xbf16, #tpu.memory_space<vmem>>, %arg2: memref<2x1024xf32, #tpu.memory_space<vmem>>, %arg3: memref<8x128xf32, #tpu.memory_space<vmem>>) attributes {dimension_semantics = [#tpu.dimension_semantics<arbitrary>], iteration_bounds = array<i64: 10>, scalar_prefetch = 0 : i64, scratch_operands = 0 : i64, tpu.core_type = #tpu.core_type<tc>, window_params = [{transform_indices = @transform_0, window_bounds = array<i64: 2, 1024, 128>}, {transform_indices = @transform_1, window_bounds = array<i64: 2, 1024>}, {transform_indices = @transform_2, window_bounds = array<i64: 8, 128>}]} {
    %get3A = arith.constant 0 : index
    %get3A_0 = arith.constant 0 : index
    %get3A_1 = arith.constant 0 : index
    %get3A_2 = vector.load %arg1[%get3A, %get3A_0, %get3A_1] : memref<2x1024x128xbf16, #tpu.memory_space<vmem>>, vector<1x1024x128xbf16>
    %get3A_3 = vector.shape_cast %get3A_2 : vector<1x1024x128xbf16> to vector<1024x128xbf16>
    %convert_element_type3A = arith.extf %get3A_3 : vector<1024x128xbf16> to vector<1024x128xf32>
    %get3A_4 = arith.constant 1 : index
    %get3A_5 = arith.constant 0 : index
    %get3A_6 = arith.constant 0 : index
    %get3A_7 = vector.load %arg1[%get3A_4, %get3A_5, %get3A_6] : memref<2x1024x128xbf16, #tpu.memory_space<vmem>>, vector<1x1024x128xbf16>
    %get3A_8 = vector.shape_cast %get3A_7 : vector<1x1024x128xbf16> to vector<1024x128xbf16>
    %convert_element_type3A_9 = arith.extf %get3A_8 : vector<1024x128xbf16> to vector<1024x128xf32>
    %add3A = arith.addf %convert_element_type3A, %convert_element_type3A_9 : vector<1024x128xf32>
    %get3A_10 = arith.constant 0 : index
    %get3A_11 = arith.constant 0 : index
    %get3A_12 = vector.load %arg2[%get3A_10, %get3A_11] : memref<2x1024xf32, #tpu.memory_space<vmem>>, vector<1x1024xf32>
    %get3A_13 = vector.shape_cast %get3A_12 : vector<1x1024xf32> to vector<1024xf32>
    %get3A_14 = arith.constant 1 : index
    %get3A_15 = arith.constant 0 : index
    %get3A_16 = vector.load %arg2[%get3A_14, %get3A_15] : memref<2x1024xf32, #tpu.memory_space<vmem>>, vector<1x1024xf32>
    %get3A_17 = vector.shape_cast %get3A_16 : vector<1x1024xf32> to vector<1024xf32>
    %add3A_18 = arith.addf %get3A_13, %get3A_17 : vector<1024xf32>
    %mul3A = arith.mulf %add3A, %add3A : vector<1024x128xf32>
    %reduce_sum3A = arith.constant dense<0.000000e+00> : vector<1024xf32>
    %reduce_sum3A_19 = vector.multi_reduction <add>, %mul3A, %reduce_sum3A [1] : vector<1024x128xf32> to vector<1024xf32>
    %max3A = arith.constant 1.000000e+00 : f32
    %max3A_20 = vector.broadcast %max3A : f32 to vector<1024xf32>
    %max3A_21 = arith.maximumf %add3A_18, %max3A_20 : vector<1024xf32>
    %gt3A = arith.constant 0.000000e+00 : f32
    %gt3A_22 = vector.broadcast %gt3A : f32 to vector<1024xf32>
    %gt3A_23 = arith.cmpf ogt, %add3A_18, %gt3A_22 : vector<1024xf32>
    %mul3A_24 = arith.mulf %max3A_21, %max3A_21 : vector<1024xf32>
    %div3A = arith.divf %reduce_sum3A_19, %mul3A_24 : vector<1024xf32>
    %sub3A = arith.constant 1.000000e+00 : f32
    %sub3A_25 = vector.broadcast %sub3A : f32 to vector<1024xf32>
    %sub3A_26 = arith.subf %sub3A_25, %div3A : vector<1024xf32>
    %jit3A = arith.constant 0.000000e+00 : f32
    %broadcast_in_dim3A = vector.broadcast %jit3A : f32 to vector<1024xf32>
    %select_n3A = arith.select %gt3A_23, %sub3A_26, %broadcast_in_dim3A : vector<1024xi1>, vector<1024xf32>
    %reshape3A = vector.shape_cast %select_n3A : vector<1024xf32> to vector<8x128xf32>
    %swap3A = arith.constant 0 : index
    %swap3A_27 = arith.constant 0 : index
    %swap3A_28 = vector.load %arg3[%swap3A, %swap3A_27] : memref<8x128xf32, #tpu.memory_space<vmem>>, vector<8x128xf32>
    tpu.vector_store %arg3[%swap3A, %swap3A_27], %reshape3A {strides = array<i32>} : memref<8x128xf32, #tpu.memory_space<vmem>>, vector<8x128xf32>,
    return
  }
  func.func @transform_0(%arg0: i32) -> (i32, i32, i32) {
    %c0_i32 = arith.constant 0 : i32
    %c0_i32_0 = arith.constant 0 : i32
    %c0_i32_1 = arith.constant 0 : i32
    return %c0_i32, %arg0, %c0_i32_0 : i32, i32, i32
  }
  func.func @transform_1(%arg0: i32) -> (i32, i32) {
    %c0_i32 = arith.constant 0 : i32
    %c0_i32_0 = arith.constant 0 : i32
    return %c0_i32, %arg0 : i32, i32
  }
  func.func @transform_2(%arg0: i32) -> (i32, i32) {
    %c0_i32 = arith.constant 0 : i32
    %c0_i32_0 = arith.constant 0 : i32
    return %arg0, %c0_i32 : i32, i32
  }
}

</mosaic_0001>

<sc_bundles>
// kernel: kernel.5.cloned.1.call-start
scs
__scs_entry_jumppad:
0x0: {  	(pc) =	sbr.rel $0x88, $3  }
0x1: {  	(tag) =	ssettag $0x0;
	lr =	simm.s32 $0x1  }
0x2: {  	[smem:$0x3F9D] =	sst lr;
	_ =	strace $0xD0000000  }
0x3: {  	_ = 	snop  }
0x4: {  	_ = 	snop  }
0x5: {  	_ = 	snop  }
0x6: {  	_ = 	snop  }
0x7: {  	_ = 	snop  }
__scs_overlays_trampoline_lowered:
0x8: {  	[smem:$0x3FAC] =	sst s0  }
0x9: {  	[smem:$0x3FAD] =	sst s1  }
0xa: {  	[smem:$0x3FAE] =	sst s2  }
0xb: {  	[smem:$0x3FAF] =	sst s3  }
0xc: {  	[smem:$0x3FB0] =	sst s4  }
0xd: {  	[smem:$0x3FB1] =	sst s5  }
0xe: {  	[smem:$0x3FB2] =	sst s6  }
0xf: {  	[smem:$0x3FB3] =	sst s7  }
0x10: {  	[smem:$0x3FB4] =	sst s8  }
0x11: {  	[smem:$0x3FB5] =	sst s9;
	s0 =	simm.s32 @!p0 $0x0  }
0x12: {  	s1 =	sld [smem:$0x3F9B];
	s0 =	simm.s32 @p0 $0x1  }
0x13: {  	[smem:$0x3FB6] =	sst s0;
	s0 =	simm.s32 @!p1 $0x0  }
0x14: {  	s2 =	sld [smem:$0x3F9A];
	s0 =	simm.s32 @p1 $0x1  }
0x15: {  	[smem:$0x3FB7] =	sst s0;
	s0 =	simm.s32 @!p2 $0x0  }
0x16: {  	s3 =	sld [smem:$0x3FDB];
	s0 =	simm.s32 @p2 $0x1  }
0x17: {  	s4 =	simm.s32 $0x1BF5;
	[smem:$0x3FB9] =	sst s0  }
0x18: {  	s0 =	sld [smem:$0x3F9C];
	_ =	swait.ge [sflag:s4], $0x0  }
0x19: {  	s7 =	sld [smem:$0x3F9D]  }
0x1a: {  	s8 =	sadd.s32 $0xFFFFE003, lr  }
0x1b: {  	s9 =	sadd.s32 $0xFFFFFEF7, lr;
	s5 =	simm.s32 $0xFFFFFFFF;
	p2 =	slt.u32 s8, $0xFFFFF086  }
0x1c: {  	p1 =	slt.u32 s9, $0xF7A;
	s5 =	simm.s32 @!p2 $0x0  }
0x1d: {  	s5 =	simm.s32 @p1 $0x1;
	p0 =	seq.s32 s7, s2  }
0x1e: {  	s7 =	smul.u32 @!p0 $0xF7A, s2;
	p2 =	seq.s32 @!p0 s5, $0x0  }
0x1f: {  	s9 =	smul.u32 $0xF7A, s1;
	s8 =	simm.s32 @!p0 $0x1BF5;
	p2 =	por !p2, p0  }
0x20: {  	[sflag:s8] =	ssyncset.s32 @!p0 $0xFFFFF086;
	s6 =	sadd.s32 @!p0 s3, s7;
	s7 =	simm.s32 @!p0 $0x108  }
0x21: {  	s3 =	sadd.s32 s3, s9;
	s6 =	sadd.s32 @!p0 $0x88, s6;
	s7 =	simm.s32 @p2 $0x1082  }
0x22: {  	[simem:s7], [sflag:s8] =	dma.local @!p0 [hbm:s6], $0xF7A  }
0x23: {  	s9 =	sor.u32 $0xD0000000, s2;
	s6 =	simm.s32 $0x108;
	_ =	swait.ge @!p0 [sflag:s8], $0x0  }
0x24: {  	s3 =	sadd.s32 $0x88, s3;
	s6 =	simm.s32 @!p1 $0x1082;
	[sflag:s4] =	ssyncset.s32 $0xFFFFF086  }
0x25: {  	[simem:s6], [sflag:s4] =	dma.local [hbm:s3], $0xF7A  }
0x26: {  	[smem:$0x3F9D] =	sst s1;
	(tag) =	ssettag s2;
	_ =	strace s9  }
0x27: {  	s1 =	sld [smem:$0x3FAD]  }
0x28: {  	s2 =	sld [smem:$0x3FAE]  }
0x29: {  	s4 =	sld [smem:$0x3FB0]  }
0x2a: {  	p0 =	seq.s32 s5, $0x0;
	s5 =	sld [smem:$0x3FB1]  }
0x2b: {  	s6 =	sld [smem:$0x3FB2]  }
0x2c: {  	s7 =	sld [smem:$0x3FB3]  }
0x2d: {  	s3 =	simm.s32 $0x108;
	s8 =	sld [smem:$0x3FB4]  }
0x2e: {  	s3 =	simm.s32 @!p0 $0x1082;
	s9 =	sld [smem:$0x3FB5]  }
0x2f: {  	lr =	sadd.s32 s0, s3;
	s0 =	sld [smem:$0x3FAC]  }
0x30: {  	s3 =	sld [smem:$0x3FAF]  }
0x31: {  	[smem:$0x3FB8] =	sst s10  }
0x32: {  	s10 =	sld [smem:$0x3FB6];
	_ =	sdelay $0x3  }
0x33: {  	p0 =	seq.s32 s10, $0x1;
	s10 =	sld [smem:$0x3FB8];
	_ =	sdelay $0x3  }
0x34: {  	[smem:$0x3FB8] =	sst s10  }
0x35: {  	s10 =	sld [smem:$0x3FB7];
	_ =	sdelay $0x3  }
0x36: {  	p1 =	seq.s32 s10, $0x1;
	s10 =	sld [smem:$0x3FB8];
	_ =	sdelay $0x3  }
0x37: {  	[smem:$0x3FB8] =	sst s10  }
0x38: {  	s10 =	sld [smem:$0x3FB9]  }
0x39: {  	_ = 	snop;
	(pc) =	sbr.ind lr, $3  }
0x3a: {  	_ = 	snop  }
0x3b: {  	_ = 	snop  }
0x3c: {  	p2 =	seq.s32 s10, $0x1;
	s10 =	sld [smem:$0x3FB8]  }
0x3d: {  	_ =	shalt  }
0x3e: {  	_ =	shalt  }
0x3f: {  	_ =	shalt  }
0x40: {  	_ =	shalt  }
0x41: {  	_ =	shalt  }
0x42: {  	_ =	shalt  }
0x43: {  	_ =	shalt  }
0x44: {  	_ =	shalt  }
0x45: {  	_ =	shalt  }
0x46: {  	_ =	shalt  }
0x47: {  	_ =	shalt  }
0x48: {  	_ =	shalt  }
0x49: {  	_ =	shalt  }
0x4a: {  	_ =	shalt  }
0x4b: {  	_ =	shalt  }
0x4c: {  	_ =	shalt  }
0x4d: {  	_ =	shalt  }
0x4e: {  	_ =	shalt  }
0x4f: {  	_ =	shalt  }
0x50: {  	_ =	shalt  }
0x51: {  	_ =	shalt  }
0x52: {  	_ =	shalt  }
0x53: {  	_ =	shalt  }
0x54: {  	_ =	shalt  }
0x55: {  	_ =	shalt  }
0x56: {  	_ =	shalt  }
0x57: {  	_ =	shalt  }
0x58: {  	_ =	shalt  }
0x59: {  	_ =	shalt  }
0x5a: {  	_ =	shalt  }
0x5b: {  	_ =	shalt  }
0x5c: {  	_ =	shalt  }
0x5d: {  	_ =	shalt  }
0x5e: {  	_ =	shalt  }
0x5f: {  	_ =	shalt  }
0x60: {  	_ =	shalt  }
0x61: {  	_ =	shalt  }
0x62: {  	_ =	shalt  }
0x63: {  	_ =	shalt  }
0x64: {  	_ =	shalt  }
0x65: {  	_ =	shalt  }
0x66: {  	_ =	shalt  }
0x67: {  	_ =	shalt  }
0x68: {  	_ =	shalt  }
0x69: {  	_ =	shalt  }
0x6a: {  	_ =	shalt  }
0x6b: {  	_ =	shalt  }
0x6c: {  	_ =	shalt  }
0x6d: {  	_ =	shalt  }
0x6e: {  	_ =	shalt  }
0x6f: {  	_ =	shalt  }
0x70: {  	_ =	shalt  }
0x71: {  	_ =	shalt  }
0x72: {  	_ =	shalt  }
0x73: {  	_ =	shalt  }
0x74: {  	_ =	shalt  }
0x75: {  	_ =	shalt  }
0x76: {  	_ =	shalt  }
0x77: {  	_ =	shalt  }
0x78: {  	_ =	shalt  }
0x79: {  	_ =	shalt  }
0x7a: {  	_ =	shalt  }
0x7b: {  	_ =	shalt  }
0x7c: {  	_ =	shalt  }
0x7d: {  	_ =	shalt  }
0x7e: {  	_ =	shalt  }
0x7f: {  	_ =	shalt  }
0x80: {  	_ =	shalt  }
0x81: {  	_ =	shalt  }
0x82: {  	_ =	shalt  }
0x83: {  	_ =	shalt  }
0x84: {  	_ =	shalt  }
0x85: {  	_ =	shalt  }
0x86: {  	_ =	shalt  }
0x87: {  	_ =	shalt  }
.Lfunc_end0:
.L_simem_size_0:
called_computation_lowered:
.L_overlay_start_0:
0x88: {  	s2 =	sld [smem:$0x3FD9]  }
0x89: {  	s3 =	sld [smem:$0x3FFE];
	_ =	sdelay $0x1  }
0x8a: {  	s1 =	srdreg.scid  }
0x8b: {  	s0 =	sand.u32 $0x1, s1  }
0x8c: {  	s16 =	sshll.u32 s0, $0xA;
	s2 =	sadd.s32 s3, s2  }
0x8d: {  	s2 =	sadd.s32 s2, s16  }
0x8e: {  	[smem:$0x3FC4] =	sst s2  }
0x8f: {  	_ = 	snop  }
0x90: {  	(tm) =	ssettm $0x1  }
0x91: {  	s17 =	sld [smem:$0x3FFB];
	_ =	sdelay $0x3  }
0x92: {  	_ =	strace s17  }
0x93: {  	s2 =	sld [smem:$0x3FFC];
	_ =	sdelay $0x3  }
0x94: {  	_ =	strace s2  }
0x95: {  	s2 =	sld [smem:$0x3FFD];
	_ =	sdelay $0x3  }
0x96: {  	_ =	strace s2  }
0x97: {  	_ =	strace $0x8FFFFFFF  }
0x98: {  	s18 =	sld [smem:$0x3FDB];
	_ =	sdelay $0x1  }
0x99: {  	s19 =	simm.s32 $_scs_section_size  }
0x9a: {  	s4 =	simm.s32 $_size__tile_overlayer_lowered;
	s5 =	simm.s32 $_tile_overlayer_lowered  }
0x9b: {  	s22 =	simm.s32 $0x1BFF;
	s21 =	sshll.u32 s5, $0x1;
	s2 =	sadd.s32 s19, s18  }
0x9c: {  	s6 =	simm.s32 $0x0;
	s20 =	sshll.u32 s4, $0x1;
	s4 =	sadd.s32 s21, s2  }
0x9d: {  	[timem:s6], [sflag:s22] =	dma.local [hbm:s4], s20  }
0x9e: {  	_ =	swait.ge [sflag:s22], s20  }
0x9f: {  	s3 =	ssub.s32 $0x0, s20;
	[sflag:s22] =	ssyncset.done $0x0  }
0xa0: {  	[sflag:s22] =	ssyncadd.s32 s3;
	_ =	sdelay $0x1  }
0xa1: {  	s23 =	simm.s32 $0x1B8B  }
0xa2: {  	_ =	swait.ge [sflag:s23], $0x1  }
0xa3: {  	[sflag:s23] =	ssyncset.done $0x0  }
0xa4: {  	s25 =	simm.s32 $0x1B8E;
	s24 =	sld [smem:$0x3FFE];
	[sflag:s23] =	ssyncadd.s32 $0xFFFFFFFF  }
0xa5: {  	s26 =	simm.s32 $execute0_lowered;
	[smem:$0x3FD2] =	sst s25  }
0xa6: {  	s4 =	sshll.u32 s26, $0x1;
	_ =	strace $0x80000046;
	[dreg:$0x1] =	wrdreg $0xFFFFFFFF  }
0xa7: {  	s28 =	simm.s32 $_size_execute0_lowered;
	s2 =	sadd.s32 s2, s4;
	[dreg:$0x0] =	wrdreg $0x0  }
0xa8: {  	s4 =	sshll.u32 s28, $0x1;
	[dreg:$0x2] =	wrdreg s2  }
0xa9: {  	[dreg:$0x3] =	wrdreg s4  }
0xaa: {  	[dreg:$0x4] =	wrdreg $0xC0  }
0xab: {  	_ =	task [dreg:s6], $0x5FFFF  }
0xac: {  	[dreg:$0x1] =	wrdreg $0xFFFFFFFF  }
0xad: {  	[dreg:$0x0] =	wrdreg $0x60  }
0xae: {  	[dreg:$0x2] =	wrdreg s24  }
0xaf: {  	[dreg:$0x3] =	wrdreg $0x90C00  }
0xb0: {  	[dreg:$0x4] =	wrdreg $0x130C00  }
0xb1: {  	[dreg:$0x5] =	wrdreg $0x9  }
0xb2: {  	_ =	task.clear_ibuf [dreg:s6], $0x6FFFF;
	_ =	strace $0x90000046  }
0xb3: {  	s29 =	simm.s32 $0x9;
	_ =	strace $0x80000048  }
0xb4: {  	_ =	swait.ge [sflag:s29], $0x1  }
0xb5: {  	[sflag:s29] =	ssyncadd.s32 $0xFFFFFFFF  }
0xb6: {  	_ =	strace $0x90000048  }
0xb7: {  	_ =	sfence  }
0xb8: {  	s30 =	sld [smem:$0x0];
	_ =	sdelay $0x2  }
0xb9: {  	s31 =	sshll.u32 s1, $0xD;
	s1 =	sshrl.u32 s1, $0x2  }
0xba: {  	s3 =	sand.u32 $0x4000, s31;
	s1 =	sadd.s32 s1, s30  }
0xbb: {  	s0 =	sor.u32 s3, s0;
	s1 =	sshll.u32 s1, $0x11  }
0xbc: {  	s0 =	sor.u32 s1, s0  }
0xbd: {  	s0 =	sadd.s32 $0x8F2B, s0  }
0xbe: {  	[sflag:s0] =	ssyncadd.remote.s32 $0x1  }
0xbf: {  	_ =	sfence.sel $0xFFFF  }
0xc0: {  	[dreg:$0x0] =	wrdreg $0xFFFFFFFF;
	(pc) =	sbr.abs _section_cstart, $3  }
0xc1: {  	[dreg:$0x1] =	wrdreg $0xFFFFFFFF  }
0xc2: {  	_ =	task.clear_ibuf [dreg:s6], $0x2FFFF;
	_ =	strace $0x9FFFFFFF  }
0xc3: {  	(tm) =	ssettm $0x7FFFFFFF  }
tec
execute0_lowered:
.L_overlay_start_1:
0x0: {  	(tag) =	ssettag $0x1  }
0x1: {  	s1 =	rddreg [dreg:$0x0];
	s0 =	srdreg.scid  }
0x2: {  	s18 =	stileid.u32;
	s2 =	rddreg [dreg:$0x1]  }
0x3: {  	s3 =	rddreg [dreg:$0x2];
	s7 =	smul.u32 $0x14000, s18  }
0x4: {  	s4 =	simm.s32 $0x0;
	s9 =	sand.u32 $0x1, s0;
	s0 =	smul.u32 $0x280, s18  }
0x5: {  	[smem:$0x7FF] =	sst s4;
	s20 =	smul.u32 $0x4E0, s18  }
0x6: {  	s10 =	sadd.s32 $0x14C00, s1;
	p0 =	slt.u32 s18, $0xE;
	s5 =	smul.u32 $0x140000, s9  }
0x7: {  	s23 =	smax.u32 s18, $0xE;
	s6 =	smul.u32 $0x2800, s9;
	s12 =	ssub.s32 $0x2, s9  }
0x8: {  	_ =	strace $0x80000047;
	p1 =	seq.s32 s9, $0x0;
	s13 =	sshrl.u32 s12, $0x1  }
0x9: {  	s14 =	sor.u32 $0x40, s0;
	s16 =	sadd.s32 $0x80, s0;
	s17 =	sadd.s32 $0xC0, s0  }
0xa: {  	s22 =	sadd.s32 $0x100, s0;
	s28 =	sadd.s32 s0, s3;
	s5 =	sadd.s32 s7, s5  }
0xb: {  	s6 =	sadd.s32 s0, s6;
	s12 =	ssub.s32 s12, s13;
	s7 =	sshrl.u32 s7, $0x1  }
0xc: {  	s15 =	sshll.u32 s14, $0x6;
	s24 =	sshll.u32 s16, $0x6;
	s14 =	sadd.s32 s14, s3  }
0xd: {  	s26 =	sshll.u32 s17, $0x6;
	s19 =	sadd.s32 s16, s3;
	s21 =	sadd.s32 s17, s3  }
0xe: {  	s13 =	sshll.u32 s23, $0x5;
	s23 =	sshll.u32 s22, $0x6;
	s8 =	sshrl.u32 s5, $0x4  }
0xf: {  	s5 =	sadd.s32 $0x1200, s1;
	s11 =	sshrl.u32 s6, $0x3;
	s6 =	simm.s32 $0x4E  }
0x10: {  	s7 =	sadd.s32 s7, s2;
	s15 =	sadd.s32 s15, s2;
	[dreg:$0x5] =	wrdreg s14  }
0x11: {  	s25 =	sadd.s32 s24, s2;
	[dreg:$0x7] =	wrdreg s19;
	s14 =	sadd.s32 s26, s2  }
0x12: {  	[dreg:$0x9] =	wrdreg s21;
	s13 =	sadd.s32 s13, s20;
	s24 =	smul.u32 $0x2700, s18  }
0x13: {  	s16 =	sadd.s32 s23, s2;
	s26 =	sadd.s32 $0x140, s0;
	[dreg:$0x4] =	wrdreg s15  }
0x14: {  	s19 =	sadd.s32 $0x1C0, s0;
	s8 =	sadd.s32 s8, s1;
	[dreg:$0x6] =	wrdreg s25  }
0x15: {  	s6 =	simm.s32 @!p0 $0x50;
	s11 =	sadd.s32 s11, s1;
	[dreg:$0x8] =	wrdreg s14  }
0x16: {  	[dreg:$0xa] =	wrdreg s16;
	s13 =	sadd.s32 $0x4C40, s13;
	s14 =	sadd.s32 s10, s20  }
0x17: {  	s1 =	sadd.s32 $0x1E840, s1;
	p0 =	sne.s32 s9, $0x0;
	s16 =	sadd.s32 s22, s3  }
0x18: {  	s21 =	sshll.u32 s19, $0x6;
	s22 =	sadd.s32 $0x200, s0;
	s15 =	simm.s32 $0x1  }
0x19: {  	s6 =	simm.s32 @p1 $0x4E;
	[dreg:$0xb] =	wrdreg s14;
	s10 =	sadd.s32 s10, s13  }
0x1a: {  	s25 =	sshrl.u32 s24, $0x3;
	s13 =	sadd.s32 s13, s1;
	s14 =	sadd.s32 $0x180, s0  }
0x1b: {  	[dreg:$0xf] =	wrdreg s16;
	s23 =	sshll.u32 s22, $0x6;
	s0 =	sadd.s32 $0x240, s0  }
0x1c: {  	s29 =	sadd.s32 s22, s3;
	s16 =	simm.s32 $0x9000;
	[dreg:$0xc] =	wrdreg s10  }
0x1d: {  	[dreg:$0xd] =	wrdreg s13;
	s1 =	sadd.s32 s25, s1;
	s10 =	sshll.u32 s26, $0x6  }
0x1e: {  	s17 =	sshll.u32 s14, $0x6;
	s20 =	sadd.s32 s14, s3;
	s24 =	sshll.u32 s0, $0x6  }
0x1f: {  	s25 =	sshrl.u32 s6, $0x1;
	s31 =	sadd.s32 s0, s3;
	s0 =	sadd.s32 $0x28600, s8  }
0x20: {  	s8 =	sadd.s32 $0x50600, s11;
	s11 =	simm.s32 $0x4;
	[dreg:$0xe] =	wrdreg s1  }
0x21: {  	s13 =	simm.s32 $0x80;
	s9 =	sadd.s32 s10, s2;
	[dreg:$0x13] =	wrdreg s20  }
0x22: {  	s14 =	simm.s32 $0x7000;
	s1 =	sadd.s32 s26, s3;
	[dreg:$0x10] =	wrdreg s9  }
0x23: {  	s18 =	sadd.s32 s17, s2;
	s26 =	sadd.s32 s23, s2;
	[dreg:$0x11] =	wrdreg s1  }
0x24: {  	s30 =	sadd.s32 s24, s2;
	[dreg:$0x12] =	wrdreg s18;
	s9 =	sadd.s32 s21, s2  }
0x25: {  	s10 =	simm.s32 $0x5000;
	s1 =	sadd.s32 s19, s3;
	[dreg:$0x14] =	wrdreg s9  }
0x26: {  	s17 =	simm.s32 $0x2;
	s18 =	simm.s32 $0x3;
	[dreg:$0x15] =	wrdreg s1  }
0x27: {  	v0 =	vimm.bf16 $0.0e+00;
	v1 =	vimm.f32 $1.000000000e+00;
	v2 =	vimm.f32 $0.0e+00;
	s1 =	sadd.s32 $0xFFFFFFFF, s25;
	s9 =	smax.u32 s12, $0x1;
	s12 =	simm.s32 $0x9080  }
.LBB2_1:
0x28: {  	s20 =	simm.s32 $0x100;
	s19 =	simm.s32 $0x0  }
.LBB2_2:
0x29: {  	p1 =	sne.s32 s20, $0x7F00;
	[tilespmem:s19+$0x5030] =	vst v0;
	s21 =	smov.u32 s20;
	s20 =	sadd.s32 $0x100, s20  }
.Ltmp0:
0x2a: {  	[tilespmem:s19+$0x5020] =	vst v0;
	(pc) =	sbr.rel @p1 .LBB2_2-.Ltmp0, $3  }
0x2b: {  	[tilespmem:s19+$0x5000] =	vst v0  }
0x2c: {  	[tilespmem:s19+$0x5010] =	vst v0;
	_ =	sdelay $0x1  }
0x2d: {  	s19 =	sshra.s32 s21, $0x2  }
0x2e: {  	[tilespmem:s19+$0x5030] =	vst v0  }
0x2f: {  	[tilespmem:s19+$0x5020] =	vst v0  }
0x30: {  	[tilespmem:s19+$0x5000] =	vst v0  }
0x31: {  	[tilespmem:s19+$0x5010] =	vst v0  }
0x32: {  	[tilespmem:$0x9000] =	vst v1  }
0x33: {  	[tilespmem:$0x9010] =	vst v1  }
0x34: {  	[tilespmem:$0x9020] =	vst v1  }
0x35: {  	[tilespmem:$0x9030] =	vst v1  }
0x36: {  	[tilespmem:$0x9040] =	vst v1  }
0x37: {  	[tilespmem:$0x9050] =	vst v1  }
0x38: {  	[tilespmem:$0x9060] =	vst v1  }
0x39: {  	[tilespmem:$0x9070] =	vst v1  }
0x3a: {  	[tilespmem:$0x9080] =	vst v2  }
0x3b: {  	[tilespmem:$0x9090] =	vst v2  }
0x3c: {  	[tilespmem:$0x90A0] =	vst v2  }
0x3d: {  	[tilespmem:$0x90B0] =	vst v2  }
0x3e: {  	[spmem:s7] =	stream.linear.scatter [tilespmem:s10], [sflag:$0x4], $0x1000, $0x38;
	[tilespmem:$0x13340] =	vst v63  }
0x3f: {  	_ =	swait.ge [sflag:s11], $0x1000  }
0x40: {  	[sflag:s11] =	ssyncset.done $0x0  }
0x41: {  	[sflag:s11] =	ssyncadd.s32 $0xFFFFF000  }
0x42: {  	[spmem:s28] =	stream.linear.scatter [tilespmem:s12], [sflag:$0x4], $0x40, $0x38;
	[tilespmem:$0x13340] =	vst v63  }
0x43: {  	_ =	swait.ge [sflag:s11], $0x40  }
0x44: {  	[sflag:s11] =	ssyncset.done $0x0  }
0x45: {  	s21 =	rddreg [dreg:$0x4];
	[sflag:s11] =	ssyncadd.s32 $0xFFFFFFC0  }
0x46: {  	[spmem:s21] =	stream.linear.scatter [tilespmem:s10], [sflag:$0x4], $0x1000, $0x38;
	[tilespmem:$0x13340] =	vst v63  }
0x47: {  	_ =	swait.ge [sflag:s11], $0x1000  }
0x48: {  	[sflag:s11] =	ssyncset.done $0x0  }
0x49: {  	s22 =	rddreg [dreg:$0x5];
	[sflag:s11] =	ssyncadd.s32 $0xFFFFF000  }
0x4a: {  	[spmem:s22] =	stream.linear.scatter [tilespmem:s12], [sflag:$0x4], $0x40, $0x38;
	[tilespmem:$0x13340] =	vst v63  }
0x4b: {  	_ =	swait.ge [sflag:s11], $0x40  }
0x4c: {  	[sflag:s11] =	ssyncset.done $0x0  }
0x4d: {  	s23 =	rddreg [dreg:$0x6];
	[sflag:s11] =	ssyncadd.s32 $0xFFFFFFC0  }
0x4e: {  	[spmem:s23] =	stream.linear.scatter [tilespmem:s10], [sflag:$0x4], $0x1000, $0x38;
	[tilespmem:$0x13340] =	vst v63  }
0x4f: {  	_ =	swait.ge [sflag:s11], $0x1000  }
0x50: {  	[sflag:s11] =	ssyncset.done $0x0  }
0x51: {  	s24 =	rddreg [dreg:$0x7];
	[sflag:s11] =	ssyncadd.s32 $0xFFFFF000  }
0x52: {  	[spmem:s24] =	stream.linear.scatter [tilespmem:s12], [sflag:$0x4], $0x40, $0x38;
	[tilespmem:$0x13340] =	vst v63  }
0x53: {  	_ =	swait.ge [sflag:s11], $0x40  }
0x54: {  	[sflag:s11] =	ssyncset.done $0x0  }
0x55: {  	s25 =	rddreg [dreg:$0x8];
	[sflag:s11] =	ssyncadd.s32 $0xFFFFFFC0  }
0x56: {  	[spmem:s25] =	stream.linear.scatter [tilespmem:s10], [sflag:$0x4], $0x1000, $0x38;
	[tilespmem:$0x13340] =	vst v63  }
0x57: {  	_ =	swait.ge [sflag:s11], $0x1000  }
0x58: {  	[sflag:s11] =	ssyncset.done $0x0  }
0x59: {  	s20 =	rddreg [dreg:$0x9];
	[sflag:s11] =	ssyncadd.s32 $0xFFFFF000  }
0x5a: {  	[spmem:s20] =	stream.linear.scatter [tilespmem:s12], [sflag:$0x4], $0x40, $0x38;
	[tilespmem:$0x13340] =	vst v63  }
0x5b: {  	_ =	swait.ge [sflag:s11], $0x40  }
0x5c: {  	[sflag:s11] =	ssyncset.done $0x0  }
0x5d: {  	s21 =	rddreg [dreg:$0xa];
	[sflag:s11] =	ssyncadd.s32 $0xFFFFFFC0  }
0x5e: {  	[spmem:s21] =	stream.linear.scatter [tilespmem:s10], [sflag:$0x4], $0x1000, $0x38;
	[tilespmem:$0x13340] =	vst v63  }
0x5f: {  	_ =	swait.ge [sflag:s11], $0x1000  }
0x60: {  	[sflag:s11] =	ssyncset.done $0x0  }
0x61: {  	s22 =	rddreg [dreg:$0xf];
	[sflag:s11] =	ssyncadd.s32 $0xFFFFF000  }
0x62: {  	[spmem:s22] =	stream.linear.scatter [tilespmem:s12], [sflag:$0x4], $0x40, $0x38;
	[tilespmem:$0x13340] =	vst v63  }
0x63: {  	_ =	swait.ge [sflag:s11], $0x40  }
0x64: {  	[sflag:s11] =	ssyncset.done $0x0  }
0x65: {  	s23 =	rddreg [dreg:$0x10];
	[sflag:s11] =	ssyncadd.s32 $0xFFFFFFC0  }
0x66: {  	[spmem:s23] =	stream.linear.scatter [tilespmem:s10], [sflag:$0x4], $0x1000, $0x38;
	[tilespmem:$0x13340] =	vst v63  }
0x67: {  	_ =	swait.ge [sflag:s11], $0x1000  }
0x68: {  	[sflag:s11] =	ssyncset.done $0x0  }
0x69: {  	s24 =	rddreg [dreg:$0x11];
	[sflag:s11] =	ssyncadd.s32 $0xFFFFF000  }
0x6a: {  	[spmem:s24] =	stream.linear.scatter [tilespmem:s12], [sflag:$0x4], $0x40, $0x38;
	[tilespmem:$0x13340] =	vst v63  }
0x6b: {  	_ =	swait.ge [sflag:s11], $0x40  }
0x6c: {  	[sflag:s11] =	ssyncset.done $0x0  }
0x6d: {  	s25 =	rddreg [dreg:$0x12];
	[sflag:s11] =	ssyncadd.s32 $0xFFFFFFC0  }
0x6e: {  	[spmem:s25] =	stream.linear.scatter [tilespmem:s10], [sflag:$0x4], $0x1000, $0x38;
	[tilespmem:$0x13340] =	vst v63  }
0x6f: {  	_ =	swait.ge [sflag:s11], $0x1000  }
0x70: {  	[sflag:s11] =	ssyncset.done $0x0  }
0x71: {  	s20 =	rddreg [dreg:$0x13];
	[sflag:s11] =	ssyncadd.s32 $0xFFFFF000  }
0x72: {  	[spmem:s20] =	stream.linear.scatter [tilespmem:s12], [sflag:$0x4], $0x40, $0x38;
	[tilespmem:$0x13340] =	vst v63  }
0x73: {  	_ =	swait.ge [sflag:s11], $0x40  }
0x74: {  	[sflag:s11] =	ssyncset.done $0x0  }
0x75: {  	s21 =	rddreg [dreg:$0x14];
	[sflag:s11] =	ssyncadd.s32 $0xFFFFFFC0  }
0x76: {  	[spmem:s21] =	stream.linear.scatter [tilespmem:s10], [sflag:$0x4], $0x1000, $0x38;
	[tilespmem:$0x13340] =	vst v63  }
0x77: {  	_ =	swait.ge [sflag:s11], $0x1000  }
0x78: {  	[sflag:s11] =	ssyncset.done $0x0  }
0x79: {  	s22 =	rddreg [dreg:$0x15];
	[sflag:s11] =	ssyncadd.s32 $0xFFFFF000  }
0x7a: {  	[spmem:s22] =	stream.linear.scatter [tilespmem:s12], [sflag:$0x4], $0x40, $0x38;
	[tilespmem:$0x13340] =	vst v63  }
0x7b: {  	_ =	swait.ge [sflag:s11], $0x40  }
0x7c: {  	[sflag:s11] =	ssyncset.done $0x0  }
0x7d: {  	[sflag:s11] =	ssyncadd.s32 $0xFFFFFFC0  }
0x7e: {  	[spmem:s26] =	stream.linear.scatter [tilespmem:s10], [sflag:$0x4], $0x1000, $0x38;
	[tilespmem:$0x13340] =	vst v63  }
0x7f: {  	_ =	swait.ge [sflag:s11], $0x1000  }
0x80: {  	[sflag:s11] =	ssyncset.done $0x0  }
0x81: {  	[sflag:s11] =	ssyncadd.s32 $0xFFFFF000  }
0x82: {  	[spmem:s29] =	stream.linear.scatter [tilespmem:s12], [sflag:$0x4], $0x40, $0x38;
	[tilespmem:$0x13340] =	vst v63  }
0x83: {  	_ =	swait.ge [sflag:s11], $0x40  }
0x84: {  	[sflag:s11] =	ssyncset.done $0x0  }
0x85: {  	[sflag:s11] =	ssyncadd.s32 $0xFFFFFFC0  }
0x86: {  	[spmem:s30] =	stream.linear.scatter [tilespmem:s10], [sflag:$0x4], $0x1000, $0x38;
	[tilespmem:$0x13340] =	vst v63  }
0x87: {  	_ =	swait.ge [sflag:s11], $0x1000  }
0x88: {  	[sflag:s11] =	ssyncset.done $0x0  }
0x89: {  	[sflag:s11] =	ssyncadd.s32 $0xFFFFF000  }
0x8a: {  	[spmem:s31] =	stream.linear.scatter [tilespmem:s12], [sflag:$0x4], $0x40, $0x38;
	[tilespmem:$0x13340] =	vst v63  }
0x8b: {  	_ =	swait.ge [sflag:s11], $0x40  }
0x8c: {  	[sflag:s11] =	ssyncset.done $0x0  }
0x8d: {  	s19 =	simm.s32 @p0 $0x0;
	s20 =	rddreg [dreg:$0xc];
	[sflag:s11] =	ssyncadd.s32 $0xFFFFFFC0  }
0x8e: {  	[tilespmem:s19], [sflag:$0x4] =	stream.linear.gather @p0 [hbm4b:s20+s19], $0x2800, $0x38;
	[tilespmem:$0x13340] =	vst v63  }
0x8f: {  	s20 =	simm.s32 @p0 $0x4  }
0x90: {  	_ =	swait.ge @p0 [sflag:s20], $0x2800  }
0x91: {  	[sflag:s20] =	ssyncset.done @p0 $0x0  }
0x92: {  	s21 =	simm.s32 @p0 $0x2800;
	s22 =	rddreg [dreg:$0xd];
	[sflag:s20] =	ssyncadd.s32 @p0 $0xFFFFD800  }
0x93: {  	[tilespmem:s21], [sflag:$0x4] =	stream.linear.gather @p0 [hbm4b:s22+s19], $0x2800, $0x38;
	[tilespmem:$0x13340] =	vst v63  }
0x94: {  	_ =	swait.ge @p0 [sflag:s20], $0x2800  }
0x95: {  	[sflag:s20] =	ssyncset.done @p0 $0x0  }
0x96: {  	s19 =	simm.s32 @!p0 $0x0;
	[sflag:s20] =	ssyncadd.s32 @p0 $0xFFFFD800;
	s20 =	rddreg [dreg:$0xb]  }
0x97: {  	[tilespmem:s19], [sflag:$0x4] =	stream.linear.gather @!p0 [hbm4b:s20+s19], $0x2700, $0x38;
	[tilespmem:$0x13340] =	vst v63  }
0x98: {  	s20 =	simm.s32 @!p0 $0x4  }
0x99: {  	_ =	swait.ge @!p0 [sflag:s20], $0x2700  }
0x9a: {  	[sflag:s20] =	ssyncset.done @!p0 $0x0  }
0x9b: {  	s21 =	simm.s32 @!p0 $0x2800;
	s22 =	rddreg [dreg:$0xe];
	[sflag:s20] =	ssyncadd.s32 @!p0 $0xFFFFD900  }
0x9c: {  	[tilespmem:s21], [sflag:$0x4] =	stream.linear.gather @!p0 [hbm4b:s22+s19], $0x2700, $0x38;
	[tilespmem:$0x13340] =	vst v63  }
0x9d: {  	_ =	swait.ge @!p0 [sflag:s20], $0x2700  }
0x9e: {  	[sflag:s20] =	ssyncset.done @!p0 $0x0  }
0x9f: {  	[sflag:s20] =	ssyncadd.s32 @!p0 $0xFFFFD900  }
0xa0: {  	s23 =	simm.s32 $0x0;
	[bflag:$0x0] =	sbarrier.arrive $0xFFFF  }
0xa1: {  	[tilespmem:s10], [sflag:$0x1] =	stream.indirect.gather [hbm4b:s5+s13], $0x40, s23, s13, $0xb8;
	[tilespmem:$0x13340] =	vst v63  }
0xa2: {  	_ = 	snop  }
0xa3: {  	[tilespmem:s14], [sflag:$0x1] =	stream.indirect.gather [hbm4b:s5+s13], $0x40, s13, s13, $0xb8;
	[tilespmem:$0x13340] =	vst v63  }
0xa4: {  	_ =	swait.ge [sflag:s15], $0x2000  }
0xa5: {  	[sflag:s15] =	ssyncset.done $0x0  }
0xa6: {  	s24 =	simm.s32 $0x2800;
	[sflag:s15] =	ssyncadd.s32 $0xFFFFE000  }
0xa7: {  	[spmem:s2] =	stream.indirect.scatter.add.bf16 [tilespmem:s10], [sflag:$0x2], $0x40, s24, s13, $0xb8;
	[tilespmem:$0x13340] =	vst v63  }
0xa8: {  	_ = 	snop  }
0xa9: {  	[spmem:s3] =	stream.indirect.scatter.add.f32 [tilespmem:s16], [sflag:$0x3], $0x1, s24, s13, $0xb8;
	[tilespmem:$0x13340] =	vst v63  }
0xaa: {  	_ =	swait.ge [sflag:s15], $0x2000  }
0xab: {  	[sflag:s15] =	ssyncset.done $0x0  }
0xac: {  	s23 =	simm.s32 $0x2880;
	[sflag:s15] =	ssyncadd.s32 $0xFFFFE000  }
0xad: {  	[spmem:s2] =	stream.indirect.scatter.add.bf16 [tilespmem:s14], [sflag:$0x2], $0x40, s23, s13, $0xb8;
	[tilespmem:$0x13340] =	vst v63  }
0xae: {  	_ = 	snop  }
0xaf: {  	[spmem:s3] =	stream.indirect.scatter.add.f32 [tilespmem:s16], [sflag:$0x3], $0x1, s23, s13, $0xb8;
	[tilespmem:$0x13340] =	vst v63  }
0xb0: {  	_ =	swait.ge [sflag:s17], $0x2000  }
0xb1: {  	p1 =	sne.s32 s1, $0x1;
	[sflag:s17] =	ssyncset.done $0x0  }
.Ltmp1:
0xb2: {  	s25 =	simm.s32 $0x100;
	[sflag:s17] =	ssyncadd.s32 $0xFFFFE000;
	(pc) =	sbr.rel @!p1 .LBB2_5-.Ltmp1, $4  }
0xb3: {  	[tilespmem:s10], [sflag:$0x1] =	stream.indirect.gather [hbm4b:s5+s13], $0x40, s25, s13, $0xb8;
	[tilespmem:$0x13340] =	vst v63  }
0xb4: {  	s19 =	simm.s32 $0x280;
	_ =	swait.ge [sflag:s17], $0x2000  }
0xb5: {  	s21 =	simm.s32 $0x2980;
	s22 =	simm.s32 $0x180;
	[sflag:s17] =	ssyncset.done $0x0  }
0xb6: {  	s20 =	simm.s32 $0x1;
	s24 =	simm.s32 $0x180;
	[sflag:s17] =	ssyncadd.s32 $0xFFFFE000  }
.LBB2_4:
0xb7: {  	s22 =	smov.u32 s19;
	s23 =	smov.u32 s21  }
0xb8: {  	[tilespmem:s14], [sflag:$0x1] =	stream.indirect.gather [hbm4b:s5+s13], $0x40, s24, s13, $0xb8;
	[tilespmem:$0x13340] =	vst v63  }
0xb9: {  	s20 =	sadd.s32 $0x1, s20;
	s24 =	smov.u32 s19;
	_ =	swait.ge [sflag:s15], $0x2000  }
0xba: {  	p1 =	sne.s32 s1, s20;
	[sflag:s15] =	ssyncset.done $0x0  }
0xbb: {  	s25 =	sadd.s32 $0xFFFFFF80, s21;
	[sflag:s15] =	ssyncadd.s32 $0xFFFFE000  }
0xbc: {  	[spmem:s2] =	stream.indirect.scatter.add.bf16 [tilespmem:s10], [sflag:$0x2], $0x40, s25, s13, $0xb8;
	[tilespmem:$0x13340] =	vst v63  }
0xbd: {  	_ = 	snop  }
0xbe: {  	[spmem:s3] =	stream.indirect.scatter.add.f32 [tilespmem:s16], [sflag:$0x3], $0x1, s25, s13, $0xb8;
	[tilespmem:$0x13340] =	vst v63  }
0xbf: {  	_ =	swait.ge [sflag:s15], $0x2000  }
0xc0: {  	[sflag:s15] =	ssyncset.done $0x0  }
0xc1: {  	[sflag:s15] =	ssyncadd.s32 $0xFFFFE000  }
0xc2: {  	[spmem:s2] =	stream.indirect.scatter.add.bf16 [tilespmem:s14], [sflag:$0x2], $0x40, s21, s13, $0xb8;
	[tilespmem:$0x13340] =	vst v63  }
0xc3: {  	_ = 	snop  }
0xc4: {  	[spmem:s3] =	stream.indirect.scatter.add.f32 [tilespmem:s16], [sflag:$0x3], $0x1, s21, s13, $0xb8;
	[tilespmem:$0x13340] =	vst v63  }
0xc5: {  	_ =	swait.ge [sflag:s17], $0x2000  }
0xc6: {  	[sflag:s17] =	ssyncset.done $0x0  }
.Ltmp2:
0xc7: {  	s25 =	sadd.s32 $0xFFFFFF80, s19;
	[sflag:s17] =	ssyncadd.s32 $0xFFFFE000;
	(pc) =	sbr.rel @p1 .LBB2_4-.Ltmp2, $4  }
0xc8: {  	[tilespmem:s10], [sflag:$0x1] =	stream.indirect.gather [hbm4b:s5+s13], $0x40, s25, s13, $0xb8;
	[tilespmem:$0x13340] =	vst v63  }
0xc9: {  	_ =	swait.ge [sflag:s17], $0x2000  }
0xca: {  	[sflag:s17] =	ssyncset.done $0x0  }
0xcb: {  	s19 =	sadd.s32 $0x100, s19;
	s21 =	sadd.s32 $0x100, s21;
	[sflag:s17] =	ssyncadd.s32 $0xFFFFE000  }
.LBB2_5:
0xcc: {  	[tilespmem:s14], [sflag:$0x1] =	stream.indirect.gather [hbm4b:s5+s13], $0x40, s24, s13, $0xb8;
	[tilespmem:$0x13340] =	vst v63  }
0xcd: {  	_ =	swait.ge [sflag:s15], $0x2000  }
0xce: {  	[sflag:s15] =	ssyncset.done $0x0  }
0xcf: {  	s23 =	sadd.s32 $0x80, s23;
	[sflag:s15] =	ssyncadd.s32 $0xFFFFE000  }
0xd0: {  	[spmem:s2] =	stream.indirect.scatter.add.bf16 [tilespmem:s10], [sflag:$0x2], $0x40, s23, s13, $0xb8;
	[tilespmem:$0x13340] =	vst v63  }
0xd1: {  	_ = 	snop  }
0xd2: {  	[spmem:s3] =	stream.indirect.scatter.add.f32 [tilespmem:s16], [sflag:$0x3], $0x1, s23, s13, $0xb8;
	[tilespmem:$0x13340] =	vst v63  }
0xd3: {  	_ =	swait.ge [sflag:s15], $0x2000  }
0xd4: {  	[sflag:s15] =	ssyncset.done $0x0  }
0xd5: {  	[sflag:s15] =	ssyncadd.s32 $0xFFFFE000  }
0xd6: {  	[spmem:s2] =	stream.indirect.scatter.add.bf16 [tilespmem:s14], [sflag:$0x2], $0x40, s21, s13, $0xb8;
	[tilespmem:$0x13340] =	vst v63  }
0xd7: {  	_ = 	snop  }
0xd8: {  	[spmem:s3] =	stream.indirect.scatter.add.f32 [tilespmem:s16], [sflag:$0x3], $0x1, s21, s13, $0xb8;
	[tilespmem:$0x13340] =	vst v63  }
0xd9: {  	p1 =	slt.u32 s20, s1;
	_ =	swait.ge [sflag:s17], $0x2000  }
0xda: {  	s20 =	sadd.s32 @p1 $0x80, s22;
	[sflag:s17] =	ssyncset.done $0x0  }
0xdb: {  	s22 =	simm.s32 @p1 $0x5000;
	s21 =	simm.s32 @p1 $0x80;
	[sflag:s17] =	ssyncadd.s32 $0xFFFFE000  }
0xdc: {  	[tilespmem:s22], [sflag:$0x1] =	stream.indirect.gather @p1 [hbm4b:s5+s21], $0x40, s20, s21, $0xb8;
	[tilespmem:$0x13340] =	vst v63  }
0xdd: {  	s20 =	simm.s32 @p1 $0x2  }
0xde: {  	_ =	swait.ge @p1 [sflag:s20], $0x2000  }
0xdf: {  	[sflag:s20] =	ssyncset.done @p1 $0x0  }
0xe0: {  	[sflag:s20] =	ssyncadd.s32 @p1 $0xFFFFE000;
	s20 =	simm.s32 @p1 $0x7000  }
0xe1: {  	[tilespmem:s20], [sflag:$0x1] =	stream.indirect.gather @p1 [hbm4b:s5+s21], $0x40, s19, s21, $0xb8;
	[tilespmem:$0x13340] =	vst v63  }
0xe2: {  	s19 =	simm.s32 @!p1 $0x2  }
0xe3: {  	_ =	swait.ge @!p1 [sflag:s19], $0x2000  }
0xe4: {  	[sflag:s19] =	ssyncset.done @!p1 $0x0  }
0xe5: {  	[sflag:s19] =	ssyncadd.s32 @!p1 $0xFFFFE000;
	p1 =	sne.s32 s6, $0x1  }
.Ltmp3:
0xe6: {  	_ = 	snop;
	(pc) =	sbr.rel @!p1 .LBB2_7-.Ltmp3, $3  }
0xe7: {  	_ =	sdelay $0x1  }
0xe8: {  	_ =	swait.ge [sflag:s18], $0x80  }
0xe9: {  	s19 =	sadd.s32 $0xFFFFFFFF, s6;
	[sflag:s18] =	ssyncset.done $0x0  }
.LBB2_6:
0xea: {  	p1 =	sne.s32 s19, $0x1;
	s19 =	sadd.s32 $0xFFFFFFFF, s19;
	[sflag:s18] =	ssyncadd.s32 $0xFFFFFF80  }
.Ltmp4:
0xeb: {  	(pc) =	sbr.rel @p1 .LBB2_6-.Ltmp4, $3  }
0xec: {  	_ =	sdelay $0x1  }
0xed: {  	_ =	swait.ge [sflag:s18], $0x80  }
0xee: {  	[sflag:s18] =	ssyncset.done $0x0  }
.LBB2_7:
0xef: {  	s19 =	stileid.u32  }
0xf0: {  	[sflag:s18] =	ssyncadd.s32 $0xFFFFFF80;
	s19 =	sshll.u32 s19, $0x6  }
0xf1: {  	s20 =	sshrl.u32 s7, $0x3;
	[bflag:$0x0] =	sbarrier.arrive $0xFFFF;
	s19 =	sadd.s32 $0x1C04, s19  }
0xf2: {  	[hbm:s0], [sflag:s19] =	dma.local [spmem:s20], $0x1400  }
0xf3: {  	s4 =	sadd.s32 $0x1, s4;
	_ =	swait.ge [sflag:s11], $0x1400  }
0xf4: {  	p1 =	sne.s32 s4, s9;
	[sflag:s11] =	ssyncset.done $0x0  }
.Ltmp5:
0xf5: {  	s25 =	sshrl.u32 s28, $0x3;
	[sflag:s11] =	ssyncadd.s32 $0xFFFFEC00;
	(pc) =	sbr.rel @p1 .LBB2_1-.Ltmp5, $4  }
0xf6: {  	[hbm:s8], [sflag:s19] =	dma.local [spmem:s25], $0x50  }
0xf7: {  	_ =	swait.ge [sflag:s11], $0x50  }
0xf8: {  	[sflag:s11] =	ssyncset.done $0x0  }
0xf9: {  	[sflag:s11] =	ssyncadd.s32 $0xFFFFFFB0  }
0xfa: {  	_ =	sfence.sel $0x180000  }
0xfb: {  	[bflag:$0x0] =	sbarrier.arrive $0xFFFF  }
0xfc: {  	_ =	strace $0x90000047  }
0xfd: {  	s0 =	stileid.u32;
	[bflag:$0x2] =	sbarrier.arrive $0xFFFF  }
0xfe: {  	p0 =	sne.s32 s0, $0x0;
	s0 =	rddreg [dreg:$0x3]  }
0xff: {  	s0 =	sadd.s32 @!p0 $0x100000, s0  }
0x100: {  	[sflag:s0] =	ssyncadd.tile.s32 @!p0 $0x1;
	_ =	shalt  }
.Lfunc_end2:
_tile_overlayer_lowered:
.L_overlay_start_2:
0x101: {  	(tag) =	ssettag $0x2  }
0x102: {  	s0 =	rddreg [dreg:$0x0];
	s2 =	stileid.u32  }
0x103: {  	s1 =	rddreg [dreg:$0x1];
	p0 =	sne.s32 s2, $0x0  }
0x104: {  	s3 =	rddreg [dreg:$0x2];
	[bflag:$0x3] =	sbarrier.arrive $0xFFFF;
	s2 =	simm.s32 @!p0 $0x1C04  }
0x105: {  	[timem:s3], [sflag:s2] =	dma.local @!p0 [hbm:s0], s1  }
0x106: {  	s0 =	simm.s32 @!p0 $0x4  }
0x107: {  	_ =	swait.ge @!p0 [sflag:s0], s1  }
0x108: {  	s1 =	ssub.s32 @!p0 $0x0, s1;
	[sflag:s0] =	ssyncset.done @!p0 $0x0  }
0x109: {  	[sflag:s0] =	ssyncadd.s32 @!p0 s1  }
0x10a: {  	[bflag:$0x3] =	sbarrier.arrive $0xFFFF  }
0x10b: {  	_ =	shalt  }

</sc_bundles>
